<compile_context>
chip_gen: v7x
topology: tpu7x:2x2x1
jax: 0.10.2.dev20260603
libtpu: 0.0.44.dev20260713+nightly
codegen_flags: <defaults>
</compile_context>

<pallas_src>
import jax
import jax.numpy as jnp
from jax import lax
from jax.experimental import pallas as pl
from jax.experimental.pallas import tpu as pltpu
from jax.experimental.pallas import tpu_sc as plsc

BATCH = 32
POINT_NUM = 6890
MAX_NB = 8
LANES = 16
NB_SLOTS = MAX_NB - 1
PADDED = 6896
INV_N = 1.0 / (BATCH * POINT_NUM * 3)


def _sc_body(cat_hbm, nbt_hbm, nn_hbm, out_hbm,
             d_v, nbt_v, nn_v, o_v, sem_a, sem_b):
    b = lax.axis_index("s") * 2 + lax.axis_index("c")

    cp = pltpu.make_async_copy(cat_hbm.at[b], d_v, sem_a)
    cpn = [
        pltpu.make_async_copy(nbt_hbm, nbt_v, sem_b),
        pltpu.make_async_copy(nn_hbm, nn_v, sem_b),
    ]
    cp.start()
    for c in cpn:
        c.start()
    cp.wait()

    @plsc.parallel_loop(0, PADDED, LANES, unroll=4)
    def sub_body(o):
        s = pl.ds(o, LANES)
        d_v[0, s] = d_v[0, s] - d_v[3, s]
        d_v[1, s] = d_v[1, s] - d_v[4, s]
        d_v[2, s] = d_v[2, s] - d_v[5, s]

    for c in cpn:
        c.wait()

    rows = [jnp.full((LANES,), c, jnp.int32) for c in range(3)]

    def main_body(o, carry):
        lap, geo = carry
        s = pl.ds(o, LANES)
        nnv = nn_v[s]
        x = d_v[0, s]
        y = d_v[1, s]
        z = d_v[2, s]
        geo = geo + jnp.abs(x) + jnp.abs(y) + jnp.abs(z)
        idx = [nbt_v[n, s] for n in range(NB_SLOTS)]
        gx = [plsc.load_gather(d_v, [rows[0], i]) for i in idx]
        gy = [plsc.load_gather(d_v, [rows[1], i]) for i in idx]
        gz = [plsc.load_gather(d_v, [rows[2], i]) for i in idx]

        def tree7(g):
            return ((g[0] + g[1]) + (g[2] + g[3])) + ((g[4] + g[5]) + g[6])

        ax = x * nnv - tree7(gx)
        ay = y * nnv - tree7(gy)
        az = z * nnv - tree7(gz)
        lap = lap + jnp.abs(ax) + jnp.abs(ay) + jnp.abs(az)
        return lap, geo

    zero = jnp.zeros((LANES,), jnp.float32)
    lap, geo = plsc.parallel_loop(
        0, PADDED, LANES, unroll=2, carry=(zero, zero))(main_body)
    o_v[...] = (lap + geo) * INV_N
    pltpu.sync_copy(o_v, out_hbm.at[pl.ds(b * LANES, LANES)])


@jax.jit
def _mcloss(cat_t, nbt, nn_p):
    call = pl.kernel(
        _sc_body,
        out_type=jax.ShapeDtypeStruct((BATCH * LANES,), jnp.float32),
        mesh=plsc.VectorSubcoreMesh(
            core_axis_name="c", subcore_axis_name="s",
            num_cores=2, num_subcores=16),
        compiler_params=pltpu.CompilerParams(needs_layout_passes=False),
        scratch_types=[
            pltpu.VMEM((6, PADDED), jnp.float32),
            pltpu.VMEM((NB_SLOTS, PADDED), jnp.int32),
            pltpu.VMEM((PADDED,), jnp.float32),
            pltpu.VMEM((LANES,), jnp.float32),
            pltpu.SemaphoreType.DMA,
            pltpu.SemaphoreType.DMA,
        ],
    )
    parts = call(cat_t, nbt, nn_p)
    return jnp.sum(parts)


def kernel(gt_pc, predict_pc, neighbor_id_lstlst, neighbor_num_lst):
    pad = PADDED - POINT_NUM
    cat = jnp.concatenate([gt_pc, predict_pc], axis=2)
    cat_t = jnp.pad(jnp.transpose(cat, (0, 2, 1)), ((0, 0), (0, 0), (0, pad)))
    nbt = jnp.pad(jnp.transpose(neighbor_id_lstlst[:, 1:], (1, 0)),
                  ((0, 0), (0, pad)), constant_values=POINT_NUM)
    nn_p = jnp.pad(neighbor_num_lst, (0, pad))
    return _mcloss(cat_t, nbt, nn_p)

# --- scband reference (transcript-rebuilt; emitter-appended) ---
"""Pipeline reference for scband-mcloss-29197187678935 (READ-ONLY COPY).

The authoritative reference and input builder live on the scoring server;
editing this copy changes nothing except your own understanding.
"""

import jax, jax.numpy as jnp
import numpy as np

BATCH = 32
POINT_NUM = 6890
MAX_NB = 8


def setup_inputs(seed: int = 0) -> dict:
    key = jax.random.key(seed)
    k1, k2, k3 = jax.random.split(key, 3)
    gt_pc = jax.random.normal(k1, (BATCH, POINT_NUM, 3), dtype=jnp.float32)
    predict_pc = gt_pc + 0.05 * jax.random.normal(k2, (BATCH, POINT_NUM, 3), dtype=jnp.float32)
    # neighbor ids in [0, POINT_NUM]; value POINT_NUM points to the appended zero-pad vertex
    neighbor_id = jax.random.randint(k3, (POINT_NUM, MAX_NB), 0, POINT_NUM + 1, dtype=jnp.int32)
    # column 0 is the center vertex itself (as in typical mesh neighbor tables)
    neighbor_id = neighbor_id.at[:, 0].set(jnp.arange(POINT_NUM, dtype=jnp.int32))
    # number of real neighbors per vertex (entries < POINT_NUM are real)
    neighbor_num = jnp.sum(neighbor_id[:, 1:] < POINT_NUM, axis=1).astype(jnp.float32)
    return {
        "gt_pc": gt_pc,
        "predict_pc": predict_pc,
        "neighbor_id_lstlst": neighbor_id,
        "neighbor_num_lst": neighbor_num,
    }


def _laplace(pc, neighbor_id_lstlst, neighbor_num_lst):
    batch = pc.shape[0]
    point_num = pc.shape[1]
    # append zero vertex so padded neighbor ids gather zeros (faithful to torch.cat with zeros)
    pc_pad = jnp.concatenate([pc, jnp.zeros((batch, 1, 3), dtype=jnp.float32)], axis=1)
    lap = pc_pad[:, neighbor_id_lstlst[:, 0]]
    lap = lap * neighbor_num_lst.reshape(1, point_num, 1)
    for n in range(1, neighbor_id_lstlst.shape[1]):
        neighbor = pc_pad[:, neighbor_id_lstlst[:, n]]
        lap = lap - neighbor
    return lap


def reference(gt_pc, predict_pc, neighbor_id_lstlst, neighbor_num_lst):
    # compute_laplace_loss_l1 (no weights branch), faithful to the torch module
    gt_lap = _laplace(gt_pc, neighbor_id_lstlst, neighbor_num_lst)
    pr_lap = _laplace(predict_pc, neighbor_id_lstlst, neighbor_num_lst)
    laplace_l1 = jnp.abs(gt_lap - pr_lap).mean()
    # compute_geometric_loss_l1 (no weights branch)
    geometric_l1 = jnp.abs(gt_pc - predict_pc).mean()
    return laplace_l1 + geometric_l1

if __name__ == "__main__":
    import jax
    _d = setup_inputs()
    print(jax.jit(kernel)(*tuple(_d.values())))

</pallas_src>

<mosaic_0001>
#map = affine_map<(d0, d1) -> (0, 0, 0)>
#map1 = affine_map<(d0, d1) -> (0, 0)>
#map2 = affine_map<(d0, d1) -> (0)>
module attributes {stable_mosaic.version = 14 : i64} {
  func.func @_sc_body(%arg0: i32, %arg1: i32, %arg2: memref<32x6x6896xf32, #tpu.memory_space<hbm>>, %arg3: memref<7x6896xi32, #tpu.memory_space<hbm>>, %arg4: memref<6896xf32, #tpu.memory_space<hbm>>, %arg5: memref<512xf32, #tpu.memory_space<hbm>>, %arg6: memref<6x6896xf32, #tpu.memory_space<vmem>>, %arg7: memref<7x6896xi32, #tpu.memory_space<vmem>>, %arg8: memref<6896xf32, #tpu.memory_space<vmem>>, %arg9: memref<16xf32, #tpu.memory_space<vmem>>, %arg10: memref<!tpu.dma_semaphore, #tpu.memory_space<semaphore_mem>>, %arg11: memref<!tpu.dma_semaphore, #tpu.memory_space<semaphore_mem>>) attributes {dimension_semantics = [#tpu.dimension_semantics<core_parallel>, #tpu.dimension_semantics<subcore_parallel>], iteration_bounds = array<i64: 2, 16>, scalar_prefetch = 0 : i64, scratch_operands = 6 : i64, tpu.core_type = #tpu.core_type<sc_vector_subcore>, window_params = [{transform_indices = #map}, {transform_indices = #map1}, {transform_indices = #map2}, {transform_indices = #map2}]} {
    %mul3A = arith.constant 2 : i32
    %mul3A_0 = arith.muli %arg1, %mul3A : i32
    %add3A = arith.addi %mul3A_0, %arg0 : i32
    %dma_start3A = arith.constant 0 : i32
    %dma_start3A_1 = arith.constant 0 : i32
    %dma_start3A_2 = tpu.memref_slice %arg2[%add3A, %dma_start3A, %dma_start3A_1] : memref<32x6x6896xf32, #tpu.memory_space<hbm>> -> memref<1x6x6896xf32, #tpu.memory_space<hbm>>
    %dma_start3A_3 = tpu.memref_squeeze %dma_start3A_2 : memref<1x6x6896xf32, #tpu.memory_space<hbm>> -> memref<6x6896xf32, #tpu.memory_space<hbm>>
    %dma_start3A_4 = arith.constant 0 : i32
    %dma_start3A_5 = arith.constant 0 : i32
    %dma_start3A_6 = tpu.memref_slice %arg2[%add3A, %dma_start3A_4, %dma_start3A_5] : memref<32x6x6896xf32, #tpu.memory_space<hbm>> -> memref<1x6x6896xf32, #tpu.memory_space<hbm>>
    %dma_start3A_7 = tpu.memref_squeeze %dma_start3A_6 : memref<1x6x6896xf32, #tpu.memory_space<hbm>> -> memref<6x6896xf32, #tpu.memory_space<hbm>>
    tpu.enqueue_dma source(%dma_start3A_7 : memref<6x6896xf32, #tpu.memory_space<hbm>>) target(%arg6 : memref<6x6896xf32, #tpu.memory_space<vmem>>) target_semaphore(%arg10 : memref<!tpu.dma_semaphore, #tpu.memory_space<semaphore_mem>>)
    tpu.enqueue_dma source(%arg3 : memref<7x6896xi32, #tpu.memory_space<hbm>>) target(%arg7 : memref<7x6896xi32, #tpu.memory_space<vmem>>) target_semaphore(%arg11 : memref<!tpu.dma_semaphore, #tpu.memory_space<semaphore_mem>>)
    tpu.enqueue_dma source(%arg4 : memref<6896xf32, #tpu.memory_space<hbm>>) target(%arg8 : memref<6896xf32, #tpu.memory_space<vmem>>) target_semaphore(%arg11 : memref<!tpu.dma_semaphore, #tpu.memory_space<semaphore_mem>>)
    %dma_wait3A = arith.constant 0 : i32
    %dma_wait3A_8 = arith.constant 0 : i32
    %dma_wait3A_9 = tpu.memref_slice %arg2[%add3A, %dma_wait3A, %dma_wait3A_8] : memref<32x6x6896xf32, #tpu.memory_space<hbm>> -> memref<1x6x6896xf32, #tpu.memory_space<hbm>>
    %dma_wait3A_10 = tpu.memref_squeeze %dma_wait3A_9 : memref<1x6x6896xf32, #tpu.memory_space<hbm>> -> memref<6x6896xf32, #tpu.memory_space<hbm>>
    %dma_wait3A_11 = arith.constant 0 : i32
    %dma_wait3A_12 = arith.constant 0 : i32
    %dma_wait3A_13 = tpu.memref_slice %arg2[%add3A, %dma_wait3A_11, %dma_wait3A_12] : memref<32x6x6896xf32, #tpu.memory_space<hbm>> -> memref<1x6x6896xf32, #tpu.memory_space<hbm>>
    %dma_wait3A_14 = tpu.memref_squeeze %dma_wait3A_13 : memref<1x6x6896xf32, #tpu.memory_space<hbm>> -> memref<6x6896xf32, #tpu.memory_space<hbm>>
    tpu.wait_dma2 semaphore(%arg10 : memref<!tpu.dma_semaphore, #tpu.memory_space<semaphore_mem>>) src(%dma_wait3A_14 : memref<6x6896xf32, #tpu.memory_space<hbm>>) dst(%arg6 : memref<6x6896xf32, #tpu.memory_space<vmem>>)
    %parallel_loop3A = arith.constant 0 : i32
    %parallel_loop3A_15 = arith.constant 6896 : i32
    %parallel_loop3A_16 = arith.constant 16 : i32
    scf.for %parallel_loop3A_35 = %parallel_loop3A to %parallel_loop3A_15 step %parallel_loop3A_16  : i32 {
      %parallel_loop3A_36 = arith.constant 0 : i32
      %parallel_loop3A_37 = arith.index_cast %parallel_loop3A_36 : i32 to index
      %parallel_loop3A_38 = arith.index_cast %parallel_loop3A_35 : i32 to index
      %parallel_loop3A_39 = tpu.vector_load %arg6[%parallel_loop3A_37, %parallel_loop3A_38] {strides = array<i32>} : memref<6x6896xf32, #tpu.memory_space<vmem>>, vector<16xf32>,
      %parallel_loop3A_40 = arith.constant 3 : i32
      %parallel_loop3A_41 = arith.index_cast %parallel_loop3A_40 : i32 to index
      %parallel_loop3A_42 = arith.index_cast %parallel_loop3A_35 : i32 to index
      %parallel_loop3A_43 = tpu.vector_load %arg6[%parallel_loop3A_41, %parallel_loop3A_42] {strides = array<i32>} : memref<6x6896xf32, #tpu.memory_space<vmem>>, vector<16xf32>,
      %parallel_loop3A_44 = arith.subf %parallel_loop3A_39, %parallel_loop3A_43 : vector<16xf32>
      %parallel_loop3A_45 = arith.constant 0 : i32
      %parallel_loop3A_46 = arith.index_cast %parallel_loop3A_45 : i32 to index
      %parallel_loop3A_47 = arith.index_cast %parallel_loop3A_35 : i32 to index
      %parallel_loop3A_48 = tpu.vector_load %arg6[%parallel_loop3A_46, %parallel_loop3A_47] {strides = array<i32>} : memref<6x6896xf32, #tpu.memory_space<vmem>>, vector<16xf32>,
      tpu.vector_store %arg6[%parallel_loop3A_46, %parallel_loop3A_47], %parallel_loop3A_44 {strides = array<i32>} : memref<6x6896xf32, #tpu.memory_space<vmem>>, vector<16xf32>,
      %parallel_loop3A_49 = arith.constant 1 : i32
      %parallel_loop3A_50 = arith.index_cast %parallel_loop3A_49 : i32 to index
      %parallel_loop3A_51 = arith.index_cast %parallel_loop3A_35 : i32 to index
      %parallel_loop3A_52 = tpu.vector_load %arg6[%parallel_loop3A_50, %parallel_loop3A_51] {strides = array<i32>} : memref<6x6896xf32, #tpu.memory_space<vmem>>, vector<16xf32>,
      %parallel_loop3A_53 = arith.constant 4 : i32
      %parallel_loop3A_54 = arith.index_cast %parallel_loop3A_53 : i32 to index
      %parallel_loop3A_55 = arith.index_cast %parallel_loop3A_35 : i32 to index
      %parallel_loop3A_56 = tpu.vector_load %arg6[%parallel_loop3A_54, %parallel_loop3A_55] {strides = array<i32>} : memref<6x6896xf32, #tpu.memory_space<vmem>>, vector<16xf32>,
      %parallel_loop3A_57 = arith.subf %parallel_loop3A_52, %parallel_loop3A_56 : vector<16xf32>
      %parallel_loop3A_58 = arith.constant 1 : i32
      %parallel_loop3A_59 = arith.index_cast %parallel_loop3A_58 : i32 to index
      %parallel_loop3A_60 = arith.index_cast %parallel_loop3A_35 : i32 to index
      %parallel_loop3A_61 = tpu.vector_load %arg6[%parallel_loop3A_59, %parallel_loop3A_60] {strides = array<i32>} : memref<6x6896xf32, #tpu.memory_space<vmem>>, vector<16xf32>,
      tpu.vector_store %arg6[%parallel_loop3A_59, %parallel_loop3A_60], %parallel_loop3A_57 {strides = array<i32>} : memref<6x6896xf32, #tpu.memory_space<vmem>>, vector<16xf32>,
      %parallel_loop3A_62 = arith.constant 2 : i32
      %parallel_loop3A_63 = arith.index_cast %parallel_loop3A_62 : i32 to index
      %parallel_loop3A_64 = arith.index_cast %parallel_loop3A_35 : i32 to index
      %parallel_loop3A_65 = tpu.vector_load %arg6[%parallel_loop3A_63, %parallel_loop3A_64] {strides = array<i32>} : memref<6x6896xf32, #tpu.memory_space<vmem>>, vector<16xf32>,
      %parallel_loop3A_66 = arith.constant 5 : i32
      %parallel_loop3A_67 = arith.index_cast %parallel_loop3A_66 : i32 to index
      %parallel_loop3A_68 = arith.index_cast %parallel_loop3A_35 : i32 to index
      %parallel_loop3A_69 = tpu.vector_load %arg6[%parallel_loop3A_67, %parallel_loop3A_68] {strides = array<i32>} : memref<6x6896xf32, #tpu.memory_space<vmem>>, vector<16xf32>,
      %parallel_loop3A_70 = arith.subf %parallel_loop3A_65, %parallel_loop3A_69 : vector<16xf32>
      %parallel_loop3A_71 = arith.constant 2 : i32
      %parallel_loop3A_72 = arith.index_cast %parallel_loop3A_71 : i32 to index
      %parallel_loop3A_73 = arith.index_cast %parallel_loop3A_35 : i32 to index
      %parallel_loop3A_74 = tpu.vector_load %arg6[%parallel_loop3A_72, %parallel_loop3A_73] {strides = array<i32>} : memref<6x6896xf32, #tpu.memory_space<vmem>>, vector<16xf32>,
      tpu.vector_store %arg6[%parallel_loop3A_72, %parallel_loop3A_73], %parallel_loop3A_70 {strides = array<i32>} : memref<6x6896xf32, #tpu.memory_space<vmem>>, vector<16xf32>,
    } {sc.loop_unroll_factor = 4 : i64, sc.parallel_access}
    tpu.wait_dma2 semaphore(%arg11 : memref<!tpu.dma_semaphore, #tpu.memory_space<semaphore_mem>>) src(%arg3 : memref<7x6896xi32, #tpu.memory_space<hbm>>) dst(%arg7 : memref<7x6896xi32, #tpu.memory_space<vmem>>)
    tpu.wait_dma2 semaphore(%arg11 : memref<!tpu.dma_semaphore, #tpu.memory_space<semaphore_mem>>) src(%arg4 : memref<6896xf32, #tpu.memory_space<hbm>>) dst(%arg8 : memref<6896xf32, #tpu.memory_space<vmem>>)
    %broadcast_in_dim3A = arith.constant 0 : i32
    %broadcast_in_dim3A_17 = vector.broadcast %broadcast_in_dim3A : i32 to vector<16xi32>
    %broadcast_in_dim3A_18 = arith.constant 1 : i32
    %broadcast_in_dim3A_19 = vector.broadcast %broadcast_in_dim3A_18 : i32 to vector<16xi32>
    %broadcast_in_dim3A_20 = arith.constant 2 : i32
    %broadcast_in_dim3A_21 = vector.broadcast %broadcast_in_dim3A_20 : i32 to vector<16xi32>
    %broadcast_in_dim3A_22 = arith.constant 0.000000e+00 : f32
    %broadcast_in_dim3A_23 = vector.broadcast %broadcast_in_dim3A_22 : f32 to vector<16xf32>
    %parallel_loop3A_24 = arith.constant 0 : i32
    %parallel_loop3A_25 = arith.constant 6896 : i32
    %parallel_loop3A_26 = arith.constant 16 : i32
    %parallel_loop3A_27:2 = scf.for %parallel_loop3A_35 = %parallel_loop3A_24 to %parallel_loop3A_25 step %parallel_loop3A_26 iter_args(%parallel_loop3A_36 = %broadcast_in_dim3A_23, %parallel_loop3A_37 = %broadcast_in_dim3A_23) -> (vector<16xf32>, vector<16xf32>)  : i32 {
      %parallel_loop3A_38 = arith.index_cast %parallel_loop3A_35 : i32 to index
      %parallel_loop3A_39 = tpu.vector_load %arg8[%parallel_loop3A_38] {strides = array<i32>} : memref<6896xf32, #tpu.memory_space<vmem>>, vector<16xf32>,
      %parallel_loop3A_40 = arith.constant 0 : i32
      %parallel_loop3A_41 = arith.index_cast %parallel_loop3A_40 : i32 to index
      %parallel_loop3A_42 = arith.index_cast %parallel_loop3A_35 : i32 to index
      %parallel_loop3A_43 = tpu.vector_load %arg6[%parallel_loop3A_41, %parallel_loop3A_42] {strides = array<i32>} : memref<6x6896xf32, #tpu.memory_space<vmem>>, vector<16xf32>,
      %parallel_loop3A_44 = arith.constant 1 : i32
      %parallel_loop3A_45 = arith.index_cast %parallel_loop3A_44 : i32 to index
      %parallel_loop3A_46 = arith.index_cast %parallel_loop3A_35 : i32 to index
      %parallel_loop3A_47 = tpu.vector_load %arg6[%parallel_loop3A_45, %parallel_loop3A_46] {strides = array<i32>} : memref<6x6896xf32, #tpu.memory_space<vmem>>, vector<16xf32>,
      %parallel_loop3A_48 = arith.constant 2 : i32
      %parallel_loop3A_49 = arith.index_cast %parallel_loop3A_48 : i32 to index
      %parallel_loop3A_50 = arith.index_cast %parallel_loop3A_35 : i32 to index
      %parallel_loop3A_51 = tpu.vector_load %arg6[%parallel_loop3A_49, %parallel_loop3A_50] {strides = array<i32>} : memref<6x6896xf32, #tpu.memory_space<vmem>>, vector<16xf32>,
      %parallel_loop3A_52 = math.absf %parallel_loop3A_43 : vector<16xf32>
      %parallel_loop3A_53 = arith.addf %parallel_loop3A_37, %parallel_loop3A_52 : vector<16xf32>
      %parallel_loop3A_54 = math.absf %parallel_loop3A_47 : vector<16xf32>
      %parallel_loop3A_55 = arith.addf %parallel_loop3A_53, %parallel_loop3A_54 : vector<16xf32>
      %parallel_loop3A_56 = math.absf %parallel_loop3A_51 : vector<16xf32>
      %parallel_loop3A_57 = arith.addf %parallel_loop3A_55, %parallel_loop3A_56 : vector<16xf32>
      %parallel_loop3A_58 = arith.constant 0 : i32
      %parallel_loop3A_59 = arith.index_cast %parallel_loop3A_58 : i32 to index
      %parallel_loop3A_60 = arith.index_cast %parallel_loop3A_35 : i32 to index
      %parallel_loop3A_61 = tpu.vector_load %arg7[%parallel_loop3A_59, %parallel_loop3A_60] {strides = array<i32>} : memref<7x6896xi32, #tpu.memory_space<vmem>>, vector<16xi32>,
      %parallel_loop3A_62 = arith.constant 1 : i32
      %parallel_loop3A_63 = arith.index_cast %parallel_loop3A_62 : i32 to index
      %parallel_loop3A_64 = arith.index_cast %parallel_loop3A_35 : i32 to index
      %parallel_loop3A_65 = tpu.vector_load %arg7[%parallel_loop3A_63, %parallel_loop3A_64] {strides = array<i32>} : memref<7x6896xi32, #tpu.memory_space<vmem>>, vector<16xi32>,
      %parallel_loop3A_66 = arith.constant 2 : i32
      %parallel_loop3A_67 = arith.index_cast %parallel_loop3A_66 : i32 to index
      %parallel_loop3A_68 = arith.index_cast %parallel_loop3A_35 : i32 to index
      %parallel_loop3A_69 = tpu.vector_load %arg7[%parallel_loop3A_67, %parallel_loop3A_68] {strides = array<i32>} : memref<7x6896xi32, #tpu.memory_space<vmem>>, vector<16xi32>,
      %parallel_loop3A_70 = arith.constant 3 : i32
      %parallel_loop3A_71 = arith.index_cast %parallel_loop3A_70 : i32 to index
      %parallel_loop3A_72 = arith.index_cast %parallel_loop3A_35 : i32 to index
      %parallel_loop3A_73 = tpu.vector_load %arg7[%parallel_loop3A_71, %parallel_loop3A_72] {strides = array<i32>} : memref<7x6896xi32, #tpu.memory_space<vmem>>, vector<16xi32>,
      %parallel_loop3A_74 = arith.constant 4 : i32
      %parallel_loop3A_75 = arith.index_cast %parallel_loop3A_74 : i32 to index
      %parallel_loop3A_76 = arith.index_cast %parallel_loop3A_35 : i32 to index
      %parallel_loop3A_77 = tpu.vector_load %arg7[%parallel_loop3A_75, %parallel_loop3A_76] {strides = array<i32>} : memref<7x6896xi32, #tpu.memory_space<vmem>>, vector<16xi32>,
      %parallel_loop3A_78 = arith.constant 5 : i32
      %parallel_loop3A_79 = arith.index_cast %parallel_loop3A_78 : i32 to index
      %parallel_loop3A_80 = arith.index_cast %parallel_loop3A_35 : i32 to index
      %parallel_loop3A_81 = tpu.vector_load %arg7[%parallel_loop3A_79, %parallel_loop3A_80] {strides = array<i32>} : memref<7x6896xi32, #tpu.memory_space<vmem>>, vector<16xi32>,
      %parallel_loop3A_82 = arith.constant 6 : i32
      %parallel_loop3A_83 = arith.index_cast %parallel_loop3A_82 : i32 to index
      %parallel_loop3A_84 = arith.index_cast %parallel_loop3A_35 : i32 to index
      %parallel_loop3A_85 = tpu.vector_load %arg7[%parallel_loop3A_83, %parallel_loop3A_84] {strides = array<i32>} : memref<7x6896xi32, #tpu.memory_space<vmem>>, vector<16xi32>,
      %parallel_loop3A_86 = tpu.vector_load_idx %arg6[%broadcast_in_dim3A_17, %parallel_loop3A_61] : memref<6x6896xf32, #tpu.memory_space<vmem>>[vector<16xi32>, vector<16xi32>], vector<16xf32>,
      %parallel_loop3A_87 = tpu.vector_load_idx %arg6[%broadcast_in_dim3A_17, %parallel_loop3A_65] : memref<6x6896xf32, #tpu.memory_space<vmem>>[vector<16xi32>, vector<16xi32>], vector<16xf32>,
      %parallel_loop3A_88 = tpu.vector_load_idx %arg6[%broadcast_in_dim3A_17, %parallel_loop3A_69] : memref<6x6896xf32, #tpu.memory_space<vmem>>[vector<16xi32>, vector<16xi32>], vector<16xf32>,
      %parallel_loop3A_89 = tpu.vector_load_idx %arg6[%broadcast_in_dim3A_17, %parallel_loop3A_73] : memref<6x6896xf32, #tpu.memory_space<vmem>>[vector<16xi32>, vector<16xi32>], vector<16xf32>,
      %parallel_loop3A_90 = tpu.vector_load_idx %arg6[%broadcast_in_dim3A_17, %parallel_loop3A_77] : memref<6x6896xf32, #tpu.memory_space<vmem>>[vector<16xi32>, vector<16xi32>], vector<16xf32>,
      %parallel_loop3A_91 = tpu.vector_load_idx %arg6[%broadcast_in_dim3A_17, %parallel_loop3A_81] : memref<6x6896xf32, #tpu.memory_space<vmem>>[vector<16xi32>, vector<16xi32>], vector<16xf32>,
      %parallel_loop3A_92 = tpu.vector_load_idx %arg6[%broadcast_in_dim3A_17, %parallel_loop3A_85] : memref<6x6896xf32, #tpu.memory_space<vmem>>[vector<16xi32>, vector<16xi32>], vector<16xf32>,
      %parallel_loop3A_93 = tpu.vector_load_idx %arg6[%broadcast_in_dim3A_19, %parallel_loop3A_61] : memref<6x6896xf32, #tpu.memory_space<vmem>>[vector<16xi32>, vector<16xi32>], vector<16xf32>,
      %parallel_loop3A_94 = tpu.vector_load_idx %arg6[%broadcast_in_dim3A_19, %parallel_loop3A_65] : memref<6x6896xf32, #tpu.memory_space<vmem>>[vector<16xi32>, vector<16xi32>], vector<16xf32>,
      %parallel_loop3A_95 = tpu.vector_load_idx %arg6[%broadcast_in_dim3A_19, %parallel_loop3A_69] : memref<6x6896xf32, #tpu.memory_space<vmem>>[vector<16xi32>, vector<16xi32>], vector<16xf32>,
      %parallel_loop3A_96 = tpu.vector_load_idx %arg6[%broadcast_in_dim3A_19, %parallel_loop3A_73] : memref<6x6896xf32, #tpu.memory_space<vmem>>[vector<16xi32>, vector<16xi32>], vector<16xf32>,
      %parallel_loop3A_97 = tpu.vector_load_idx %arg6[%broadcast_in_dim3A_19, %parallel_loop3A_77] : memref<6x6896xf32, #tpu.memory_space<vmem>>[vector<16xi32>, vector<16xi32>], vector<16xf32>,
      %parallel_loop3A_98 = tpu.vector_load_idx %arg6[%broadcast_in_dim3A_19, %parallel_loop3A_81] : memref<6x6896xf32, #tpu.memory_space<vmem>>[vector<16xi32>, vector<16xi32>], vector<16xf32>,
      %parallel_loop3A_99 = tpu.vector_load_idx %arg6[%broadcast_in_dim3A_19, %parallel_loop3A_85] : memref<6x6896xf32, #tpu.memory_space<vmem>>[vector<16xi32>, vector<16xi32>], vector<16xf32>,
      %parallel_loop3A_100 = tpu.vector_load_idx %arg6[%broadcast_in_dim3A_21, %parallel_loop3A_61] : memref<6x6896xf32, #tpu.memory_space<vmem>>[vector<16xi32>, vector<16xi32>], vector<16xf32>,
      %parallel_loop3A_101 = tpu.vector_load_idx %arg6[%broadcast_in_dim3A_21, %parallel_loop3A_65] : memref<6x6896xf32, #tpu.memory_space<vmem>>[vector<16xi32>, vector<16xi32>], vector<16xf32>,
      %parallel_loop3A_102 = tpu.vector_load_idx %arg6[%broadcast_in_dim3A_21, %parallel_loop3A_69] : memref<6x6896xf32, #tpu.memory_space<vmem>>[vector<16xi32>, vector<16xi32>], vector<16xf32>,
      %parallel_loop3A_103 = tpu.vector_load_idx %arg6[%broadcast_in_dim3A_21, %parallel_loop3A_73] : memref<6x6896xf32, #tpu.memory_space<vmem>>[vector<16xi32>, vector<16xi32>], vector<16xf32>,
      %parallel_loop3A_104 = tpu.vector_load_idx %arg6[%broadcast_in_dim3A_21, %parallel_loop3A_77] : memref<6x6896xf32, #tpu.memory_space<vmem>>[vector<16xi32>, vector<16xi32>], vector<16xf32>,
      %parallel_loop3A_105 = tpu.vector_load_idx %arg6[%broadcast_in_dim3A_21, %parallel_loop3A_81] : memref<6x6896xf32, #tpu.memory_space<vmem>>[vector<16xi32>, vector<16xi32>], vector<16xf32>,
      %parallel_loop3A_106 = tpu.vector_load_idx %arg6[%broadcast_in_dim3A_21, %parallel_loop3A_85] : memref<6x6896xf32, #tpu.memory_space<vmem>>[vector<16xi32>, vector<16xi32>], vector<16xf32>,
      %parallel_loop3A_107 = arith.mulf %parallel_loop3A_43, %parallel_loop3A_39 : vector<16xf32>
      %parallel_loop3A_108 = arith.addf %parallel_loop3A_86, %parallel_loop3A_87 : vector<16xf32>
      %parallel_loop3A_109 = arith.addf %parallel_loop3A_88, %parallel_loop3A_89 : vector<16xf32>
      %parallel_loop3A_110 = arith.addf %parallel_loop3A_108, %parallel_loop3A_109 : vector<16xf32>
      %parallel_loop3A_111 = arith.addf %parallel_loop3A_90, %parallel_loop3A_91 : vector<16xf32>
      %parallel_loop3A_112 = arith.addf %parallel_loop3A_111, %parallel_loop3A_92 : vector<16xf32>
      %parallel_loop3A_113 = arith.addf %parallel_loop3A_110, %parallel_loop3A_112 : vector<16xf32>
      %parallel_loop3A_114 = arith.subf %parallel_loop3A_107, %parallel_loop3A_113 : vector<16xf32>
      %parallel_loop3A_115 = arith.mulf %parallel_loop3A_47, %parallel_loop3A_39 : vector<16xf32>
      %parallel_loop3A_116 = arith.addf %parallel_loop3A_93, %parallel_loop3A_94 : vector<16xf32>
      %parallel_loop3A_117 = arith.addf %parallel_loop3A_95, %parallel_loop3A_96 : vector<16xf32>
      %parallel_loop3A_118 = arith.addf %parallel_loop3A_116, %parallel_loop3A_117 : vector<16xf32>
      %parallel_loop3A_119 = arith.addf %parallel_loop3A_97, %parallel_loop3A_98 : vector<16xf32>
      %parallel_loop3A_120 = arith.addf %parallel_loop3A_119, %parallel_loop3A_99 : vector<16xf32>
      %parallel_loop3A_121 = arith.addf %parallel_loop3A_118, %parallel_loop3A_120 : vector<16xf32>
      %parallel_loop3A_122 = arith.subf %parallel_loop3A_115, %parallel_loop3A_121 : vector<16xf32>
      %parallel_loop3A_123 = arith.mulf %parallel_loop3A_51, %parallel_loop3A_39 : vector<16xf32>
      %parallel_loop3A_124 = arith.addf %parallel_loop3A_100, %parallel_loop3A_101 : vector<16xf32>
      %parallel_loop3A_125 = arith.addf %parallel_loop3A_102, %parallel_loop3A_103 : vector<16xf32>
      %parallel_loop3A_126 = arith.addf %parallel_loop3A_124, %parallel_loop3A_125 : vector<16xf32>
      %parallel_loop3A_127 = arith.addf %parallel_loop3A_104, %parallel_loop3A_105 : vector<16xf32>
      %parallel_loop3A_128 = arith.addf %parallel_loop3A_127, %parallel_loop3A_106 : vector<16xf32>
      %parallel_loop3A_129 = arith.addf %parallel_loop3A_126, %parallel_loop3A_128 : vector<16xf32>
      %parallel_loop3A_130 = arith.subf %parallel_loop3A_123, %parallel_loop3A_129 : vector<16xf32>
      %parallel_loop3A_131 = math.absf %parallel_loop3A_114 : vector<16xf32>
      %parallel_loop3A_132 = arith.addf %parallel_loop3A_36, %parallel_loop3A_131 : vector<16xf32>
      %parallel_loop3A_133 = math.absf %parallel_loop3A_122 : vector<16xf32>
      %parallel_loop3A_134 = arith.addf %parallel_loop3A_132, %parallel_loop3A_133 : vector<16xf32>
      %parallel_loop3A_135 = math.absf %parallel_loop3A_130 : vector<16xf32>
      %parallel_loop3A_136 = arith.addf %parallel_loop3A_134, %parallel_loop3A_135 : vector<16xf32>
      scf.yield %parallel_loop3A_136, %parallel_loop3A_57 : vector<16xf32>, vector<16xf32>
    } {sc.loop_unroll_factor = 2 : i64, sc.parallel_access}
    %add3A_28 = arith.addf %parallel_loop3A_27#0, %parallel_loop3A_27#1 : vector<16xf32>
    %mul3A_29 = arith.constant 1.51185293E-6 : f32
    %mul3A_30 = vector.broadcast %mul3A_29 : f32 to vector<16xf32>
    %mul3A_31 = arith.mulf %add3A_28, %mul3A_30 : vector<16xf32>
    %swap3A = arith.constant 0 : index
    %swap3A_32 = tpu.vector_load %arg9[%swap3A] {strides = array<i32>} : memref<16xf32, #tpu.memory_space<vmem>>, vector<16xf32>,
    tpu.vector_store %arg9[%swap3A], %mul3A_31 {strides = array<i32>} : memref<16xf32, #tpu.memory_space<vmem>>, vector<16xf32>,
    %mul3A_33 = arith.constant 16 : i32
    %mul3A_34 = arith.muli %add3A, %mul3A_33 : i32
    "tpu.region"() ({
      %run_scoped3A = tpu.sem_alloc : memref<!tpu.dma_semaphore, #tpu.memory_space<semaphore_mem>>
      %dma_start3A_35 = tpu.memref_slice %arg5[%mul3A_34] : memref<512xf32, #tpu.memory_space<hbm>> -> memref<16xf32, #tpu.memory_space<hbm>>
      %dma_start3A_36 = tpu.memref_slice %arg5[%mul3A_34] : memref<512xf32, #tpu.memory_space<hbm>> -> memref<16xf32, #tpu.memory_space<hbm>>
      tpu.enqueue_dma source(%arg9 : memref<16xf32, #tpu.memory_space<vmem>>) target(%dma_start3A_36 : memref<16xf32, #tpu.memory_space<hbm>>) target_semaphore(%run_scoped3A : memref<!tpu.dma_semaphore, #tpu.memory_space<semaphore_mem>>)
      %dma_wait3A_37 = tpu.memref_slice %arg5[%mul3A_34] : memref<512xf32, #tpu.memory_space<hbm>> -> memref<16xf32, #tpu.memory_space<hbm>>
      %dma_wait3A_38 = tpu.memref_slice %arg5[%mul3A_34] : memref<512xf32, #tpu.memory_space<hbm>> -> memref<16xf32, #tpu.memory_space<hbm>>
      tpu.wait_dma2 semaphore(%run_scoped3A : memref<!tpu.dma_semaphore, #tpu.memory_space<semaphore_mem>>) src(%arg9 : memref<16xf32, #tpu.memory_space<vmem>>) dst(%dma_wait3A_38 : memref<16xf32, #tpu.memory_space<hbm>>)
      tpu.yield
    }) : () -> ()
    return
  }
}

</mosaic_0001>

<sc_bundles>
// kernel: _mcloss.3.cloned.1.call-start
scs
__scs_entry_jumppad:
0x0: {  	(pc) =	sbr.rel $0x88, $3  }
0x1: {  	(tag) =	ssettag $0x0;
	lr =	simm.s32 $0x1  }
0x2: {  	[smem:$0x3F9E] =	sst lr;
	_ =	strace $0xD0000000  }
0x3: {  	_ = 	snop  }
0x4: {  	_ = 	snop  }
0x5: {  	_ = 	snop  }
0x6: {  	_ = 	snop  }
0x7: {  	_ = 	snop  }
__scs_overlays_trampoline_lowered:
0x8: {  	[smem:$0x3FAD] =	sst s0  }
0x9: {  	[smem:$0x3FAE] =	sst s1  }
0xa: {  	[smem:$0x3FAF] =	sst s2  }
0xb: {  	[smem:$0x3FB0] =	sst s3  }
0xc: {  	[smem:$0x3FB1] =	sst s4  }
0xd: {  	[smem:$0x3FB2] =	sst s5  }
0xe: {  	[smem:$0x3FB3] =	sst s6  }
0xf: {  	[smem:$0x3FB4] =	sst s7  }
0x10: {  	[smem:$0x3FB5] =	sst s8  }
0x11: {  	[smem:$0x3FB6] =	sst s9;
	s0 =	simm.s32 @!p0 $0x0  }
0x12: {  	s1 =	sld [smem:$0x3F9C];
	s0 =	simm.s32 @p0 $0x1  }
0x13: {  	[smem:$0x3FB7] =	sst s0;
	s0 =	simm.s32 @!p1 $0x0  }
0x14: {  	s2 =	sld [smem:$0x3F9B];
	s0 =	simm.s32 @p1 $0x1  }
0x15: {  	[smem:$0x3FB8] =	sst s0;
	s0 =	simm.s32 @!p2 $0x0  }
0x16: {  	s3 =	sld [smem:$0x3FDB];
	s0 =	simm.s32 @p2 $0x1  }
0x17: {  	s4 =	simm.s32 $0x1BF5;
	[smem:$0x3FBA] =	sst s0  }
0x18: {  	s0 =	sld [smem:$0x3F9D];
	_ =	swait.ge [sflag:s4], $0x0  }
0x19: {  	s7 =	sld [smem:$0x3F9E]  }
0x1a: {  	s8 =	sadd.s32 $0xFFFFE003, lr  }
0x1b: {  	s9 =	sadd.s32 $0xFFFFFEF7, lr;
	s5 =	simm.s32 $0xFFFFFFFF;
	p2 =	slt.u32 s8, $0xFFFFF086  }
0x1c: {  	p1 =	slt.u32 s9, $0xF7A;
	s5 =	simm.s32 @!p2 $0x0  }
0x1d: {  	s5 =	simm.s32 @p1 $0x1;
	p0 =	seq.s32 s7, s2  }
0x1e: {  	s7 =	smul.u32 @!p0 $0xF7A, s2;
	p2 =	seq.s32 @!p0 s5, $0x0  }
0x1f: {  	s9 =	smul.u32 $0xF7A, s1;
	s8 =	simm.s32 @!p0 $0x1BF5;
	p2 =	por !p2, p0  }
0x20: {  	[sflag:s8] =	ssyncset.s32 @!p0 $0xFFFFF086;
	s6 =	sadd.s32 @!p0 s3, s7;
	s7 =	simm.s32 @!p0 $0x108  }
0x21: {  	s3 =	sadd.s32 s3, s9;
	s6 =	sadd.s32 @!p0 $0x88, s6;
	s7 =	simm.s32 @p2 $0x1082  }
0x22: {  	[simem:s7], [sflag:s8] =	dma.local @!p0 [hbm:s6], $0xF7A  }
0x23: {  	s9 =	sor.u32 $0xD0000000, s2;
	s6 =	simm.s32 $0x108;
	_ =	swait.ge @!p0 [sflag:s8], $0x0  }
0x24: {  	s3 =	sadd.s32 $0x88, s3;
	s6 =	simm.s32 @!p1 $0x1082;
	[sflag:s4] =	ssyncset.s32 $0xFFFFF086  }
0x25: {  	[simem:s6], [sflag:s4] =	dma.local [hbm:s3], $0xF7A  }
0x26: {  	[smem:$0x3F9E] =	sst s1;
	(tag) =	ssettag s2;
	_ =	strace s9  }
0x27: {  	s1 =	sld [smem:$0x3FAE]  }
0x28: {  	s2 =	sld [smem:$0x3FAF]  }
0x29: {  	s4 =	sld [smem:$0x3FB1]  }
0x2a: {  	p0 =	seq.s32 s5, $0x0;
	s5 =	sld [smem:$0x3FB2]  }
0x2b: {  	s6 =	sld [smem:$0x3FB3]  }
0x2c: {  	s7 =	sld [smem:$0x3FB4]  }
0x2d: {  	s3 =	simm.s32 $0x108;
	s8 =	sld [smem:$0x3FB5]  }
0x2e: {  	s3 =	simm.s32 @!p0 $0x1082;
	s9 =	sld [smem:$0x3FB6]  }
0x2f: {  	lr =	sadd.s32 s0, s3;
	s0 =	sld [smem:$0x3FAD]  }
0x30: {  	s3 =	sld [smem:$0x3FB0]  }
0x31: {  	[smem:$0x3FB9] =	sst s10  }
0x32: {  	s10 =	sld [smem:$0x3FB7];
	_ =	sdelay $0x3  }
0x33: {  	p0 =	seq.s32 s10, $0x1;
	s10 =	sld [smem:$0x3FB9];
	_ =	sdelay $0x3  }
0x34: {  	[smem:$0x3FB9] =	sst s10  }
0x35: {  	s10 =	sld [smem:$0x3FB8];
	_ =	sdelay $0x3  }
0x36: {  	p1 =	seq.s32 s10, $0x1;
	s10 =	sld [smem:$0x3FB9];
	_ =	sdelay $0x3  }
0x37: {  	[smem:$0x3FB9] =	sst s10  }
0x38: {  	s10 =	sld [smem:$0x3FBA]  }
0x39: {  	_ = 	snop;
	(pc) =	sbr.ind lr, $3  }
0x3a: {  	_ = 	snop  }
0x3b: {  	_ = 	snop  }
0x3c: {  	p2 =	seq.s32 s10, $0x1;
	s10 =	sld [smem:$0x3FB9]  }
0x3d: {  	_ =	shalt  }
0x3e: {  	_ =	shalt  }
0x3f: {  	_ =	shalt  }
0x40: {  	_ =	shalt  }
0x41: {  	_ =	shalt  }
0x42: {  	_ =	shalt  }
0x43: {  	_ =	shalt  }
0x44: {  	_ =	shalt  }
0x45: {  	_ =	shalt  }
0x46: {  	_ =	shalt  }
0x47: {  	_ =	shalt  }
0x48: {  	_ =	shalt  }
0x49: {  	_ =	shalt  }
0x4a: {  	_ =	shalt  }
0x4b: {  	_ =	shalt  }
0x4c: {  	_ =	shalt  }
0x4d: {  	_ =	shalt  }
0x4e: {  	_ =	shalt  }
0x4f: {  	_ =	shalt  }
0x50: {  	_ =	shalt  }
0x51: {  	_ =	shalt  }
0x52: {  	_ =	shalt  }
0x53: {  	_ =	shalt  }
0x54: {  	_ =	shalt  }
0x55: {  	_ =	shalt  }
0x56: {  	_ =	shalt  }
0x57: {  	_ =	shalt  }
0x58: {  	_ =	shalt  }
0x59: {  	_ =	shalt  }
0x5a: {  	_ =	shalt  }
0x5b: {  	_ =	shalt  }
0x5c: {  	_ =	shalt  }
0x5d: {  	_ =	shalt  }
0x5e: {  	_ =	shalt  }
0x5f: {  	_ =	shalt  }
0x60: {  	_ =	shalt  }
0x61: {  	_ =	shalt  }
0x62: {  	_ =	shalt  }
0x63: {  	_ =	shalt  }
0x64: {  	_ =	shalt  }
0x65: {  	_ =	shalt  }
0x66: {  	_ =	shalt  }
0x67: {  	_ =	shalt  }
0x68: {  	_ =	shalt  }
0x69: {  	_ =	shalt  }
0x6a: {  	_ =	shalt  }
0x6b: {  	_ =	shalt  }
0x6c: {  	_ =	shalt  }
0x6d: {  	_ =	shalt  }
0x6e: {  	_ =	shalt  }
0x6f: {  	_ =	shalt  }
0x70: {  	_ =	shalt  }
0x71: {  	_ =	shalt  }
0x72: {  	_ =	shalt  }
0x73: {  	_ =	shalt  }
0x74: {  	_ =	shalt  }
0x75: {  	_ =	shalt  }
0x76: {  	_ =	shalt  }
0x77: {  	_ =	shalt  }
0x78: {  	_ =	shalt  }
0x79: {  	_ =	shalt  }
0x7a: {  	_ =	shalt  }
0x7b: {  	_ =	shalt  }
0x7c: {  	_ =	shalt  }
0x7d: {  	_ =	shalt  }
0x7e: {  	_ =	shalt  }
0x7f: {  	_ =	shalt  }
0x80: {  	_ =	shalt  }
0x81: {  	_ =	shalt  }
0x82: {  	_ =	shalt  }
0x83: {  	_ =	shalt  }
0x84: {  	_ =	shalt  }
0x85: {  	_ =	shalt  }
0x86: {  	_ =	shalt  }
0x87: {  	_ =	shalt  }
.Lfunc_end0:
.L_simem_size_0:
called_computation_lowered:
.L_overlay_start_0:
0x88: {  	s2 =	sld [smem:$0x3FD9]  }
0x89: {  	s3 =	sld [smem:$0x3FFE];
	_ =	sdelay $0x1  }
0x8a: {  	s1 =	srdreg.scid  }
0x8b: {  	s0 =	sand.u32 $0x1, s1  }
0x8c: {  	s17 =	sshll.u32 s0, $0xA;
	s2 =	sadd.s32 s3, s2  }
0x8d: {  	s2 =	sadd.s32 s2, s17  }
0x8e: {  	[smem:$0x3FC5] =	sst s2  }
0x8f: {  	_ = 	snop  }
0x90: {  	s2 =	sld [smem:$0x3FC8]  }
0x91: {  	s18 =	sld [smem:$0x3FC7];
	(tm) =	ssettm $0x1  }
0x92: {  	s4 =	sld [smem:$0x3FFB];
	_ =	sdelay $0x3  }
0x93: {  	_ =	strace s4  }
0x94: {  	s4 =	sld [smem:$0x3FFC];
	_ =	sdelay $0x3  }
0x95: {  	_ =	strace s4  }
0x96: {  	s4 =	sld [smem:$0x3FFD];
	_ =	sdelay $0x3  }
0x97: {  	_ =	strace s4  }
0x98: {  	_ =	strace $0x8FFFFFFF  }
0x99: {  	s19 =	sld [smem:$0x3FDB];
	_ =	sdelay $0x1  }
0x9a: {  	s5 =	simm.s32 $_scs_section_size  }
0x9b: {  	s6 =	simm.s32 $_size__tile_overlayer_lowered;
	s7 =	simm.s32 $_tile_overlayer_lowered  }
0x9c: {  	s22 =	simm.s32 $0x1BFF;
	s21 =	sshll.u32 s7, $0x1;
	s4 =	sadd.s32 s5, s19  }
0x9d: {  	s8 =	simm.s32 $0x0;
	s20 =	sshll.u32 s6, $0x1;
	s6 =	sadd.s32 s21, s4  }
0x9e: {  	[timem:s8], [sflag:s22] =	dma.local [hbm:s6], s20  }
0x9f: {  	_ =	swait.ge [sflag:s22], s20  }
0xa0: {  	s5 =	ssub.s32 $0x0, s20;
	[sflag:s22] =	ssyncset.done $0x0  }
0xa1: {  	[sflag:s22] =	ssyncadd.s32 s5;
	_ =	sdelay $0x1  }
0xa2: {  	s23 =	simm.s32 $0x1B8B  }
0xa3: {  	_ =	swait.ge [sflag:s23], $0x1  }
0xa4: {  	[sflag:s23] =	ssyncset.done $0x0  }
0xa5: {  	s25 =	simm.s32 $0x1B8E;
	s24 =	sld [smem:$0x3FFE];
	[sflag:s23] =	ssyncadd.s32 $0xFFFFFFFF  }
0xa6: {  	s26 =	simm.s32 $execute0_lowered;
	[smem:$0x3FD2] =	sst s25  }
0xa7: {  	s6 =	sshll.u32 s26, $0x1;
	_ =	strace $0x80000046;
	[dreg:$0x1] =	wrdreg $0xFFFFFFFF  }
0xa8: {  	s28 =	simm.s32 $_size_execute0_lowered;
	s4 =	sadd.s32 s4, s6;
	[dreg:$0x0] =	wrdreg $0x0  }
0xa9: {  	s6 =	sshll.u32 s28, $0x1;
	[dreg:$0x2] =	wrdreg s4  }
0xaa: {  	[dreg:$0x3] =	wrdreg s6  }
0xab: {  	[dreg:$0x4] =	wrdreg $0xC0  }
0xac: {  	_ =	task [dreg:s8], $0x5FFFF  }
0xad: {  	[dreg:$0x1] =	wrdreg $0xFFFFFFFF  }
0xae: {  	[dreg:$0x0] =	wrdreg $0x60  }
0xaf: {  	[dreg:$0x2] =	wrdreg s24  }
0xb0: {  	[dreg:$0x3] =	wrdreg s2  }
0xb1: {  	[dreg:$0x4] =	wrdreg s18  }
0xb2: {  	[dreg:$0x5] =	wrdreg $0x9  }
0xb3: {  	_ =	task.clear_ibuf [dreg:s8], $0x6FFFF;
	_ =	strace $0x90000046  }
0xb4: {  	s29 =	simm.s32 $0x9;
	_ =	strace $0x80000048  }
0xb5: {  	_ =	swait.ge [sflag:s29], $0x1  }
0xb6: {  	[sflag:s29] =	ssyncadd.s32 $0xFFFFFFFF  }
0xb7: {  	_ =	strace $0x90000048  }
0xb8: {  	_ =	sfence  }
0xb9: {  	s30 =	sld [smem:$0x0];
	_ =	sdelay $0x2  }
0xba: {  	s31 =	sshll.u32 s1, $0xD;
	s1 =	sshrl.u32 s1, $0x2  }
0xbb: {  	s3 =	sand.u32 $0x4000, s31;
	s1 =	sadd.s32 s1, s30  }
0xbc: {  	s0 =	sor.u32 s3, s0;
	s1 =	sshll.u32 s1, $0x11  }
0xbd: {  	s0 =	sor.u32 s1, s0  }
0xbe: {  	s0 =	sadd.s32 $0x8F2B, s0  }
0xbf: {  	[sflag:s0] =	ssyncadd.remote.s32 $0x1  }
0xc0: {  	_ =	sfence.sel $0xFFFF  }
0xc1: {  	[dreg:$0x0] =	wrdreg $0xFFFFFFFF;
	(pc) =	sbr.abs _section_cstart, $3  }
0xc2: {  	[dreg:$0x1] =	wrdreg $0xFFFFFFFF  }
0xc3: {  	_ =	task.clear_ibuf [dreg:s8], $0x2FFFF;
	_ =	strace $0x9FFFFFFF  }
0xc4: {  	(tm) =	ssettm $0x7FFFFFFF  }
0xc5: {  	_ =	shalt  }
tec
execute0_lowered:
.L_overlay_start_1:
0x0: {  	(tag) =	ssettag $0x1  }
0x1: {  	s5 =	rddreg [dreg:$0x0]  }
0x2: {  	s2 =	rddreg [dreg:$0x1]  }
0x3: {  	s1 =	srdreg.scid;
	s0 =	stileid.u32  }
0x4: {  	s3 =	rddreg [dreg:$0x2];
	s4 =	simm.s32 $0x0;
	s10 =	simm.s32 $0x1  }
0x5: {  	s11 =	simm.s32 $0x2;
	s12 =	simm.s32 $0x1CB00;
	s13 =	simm.s32 $0x3  }
0x6: {  	s6 =	sand.u32 $0x1, s1;
	s7 =	sshll.u32 s0, $0x1;
	s1 =	rddreg [dreg:$0x3]  }
0x7: {  	s14 =	simm.s32 $0x0;
	[smem:$0x7FF] =	sst s4;
	s7 =	sor.u32 s6, s7  }
0x8: {  	s6 =	ssub.s32 $0x2, s6;
	s8 =	smul.u32 $0x1B00, s7;
	s7 =	sshll.u32 s7, $0x1  }
0x9: {  	_ =	strace $0x80000047;
	s9 =	sshrl.u32 s6, $0x1;
	s7 =	sadd.s32 s7, s5  }
0xa: {  	s9 =	ssub.s32 s6, s9;
	s5 =	sadd.s32 s5, s8;
	s6 =	sadd.s32 $0x36000, s7  }
0xb: {  	s7 =	smax.u32 s9, $0x1;
	s8 =	simm.s32 $0xD800;
	s9 =	simm.s32 $0x1B000  }
.LBB2_1:
0xc: {  	[tilespmem:s4], [sflag:$0x1] =	stream.linear.gather [hbm4b:s5+s4], $0xD800, $0x38;
	[tilespmem:$0x1CB80] =	vst v63  }
0xd: {  	_ = 	snop  }
0xe: {  	[tilespmem:s8], [sflag:$0x2] =	stream.linear.gather [hbm4b:s2+s4], $0xD800, $0x38;
	[tilespmem:$0x1CB80] =	vst v63  }
0xf: {  	_ = 	snop  }
0x10: {  	[tilespmem:s9], [sflag:$0x2] =	stream.linear.gather [hbm4b:s3+s4], $0x1B00, $0x38;
	[tilespmem:$0x1CB80] =	vst v63  }
0x11: {  	s16 =	simm.s32 $0x0;
	_ =	swait.ge [sflag:s10], $0xD800  }
0x12: {  	s17 =	sand.u32 $0xFC00, s4;
	s15 =	sand.u32 $0x40, s16;
	[sflag:s10] =	ssyncset.done $0x0  }
0x13: {  	s15 =	sor.u32 s15, s17;
	[sflag:s10] =	ssyncadd.s32 $0xFFFF2800  }
0x14: {  	v0 =	vld [tilespmem:s15+$0x30]  }
0x15: {  	v1 =	vld [tilespmem:s15+$0x1B0]  }
0x16: {  	v2 =	vld [tilespmem:s15+$0x0]  }
0x17: {  	p0 =	por $0x0, $0x0;
	s17 =	simm.s32 $0x1;
	v3 =	vld [tilespmem:s15+$0x180]  }
0x18: {  	s17 =	simm.s32 @!p0 $0x0;
	v4 =	vld [tilespmem:s15+$0x10]  }
0x19: {  	s17 =	sshll.u32 s17, $0x6;
	v5 =	vld [tilespmem:s15+$0x190]  }
0x1a: {  	s17 =	sadd.s32 $0x0, s17;
	v6 =	vld [tilespmem:s15+$0x1A0];
	v0 =	vsub.f32 v0, v1  }
0x1b: {  	s18 =	sadd.s32 $0x30, s17;
	v1 =	vld [tilespmem:s15+$0x20]  }
0x1c: {  	s19 =	sor.u32 $0x200, s18;
	v2 =	vsub.f32 v2, v3;
	[tilespmem:s15+$0x30] =	vst v0;
	v0 =	vld [tilespmem:s15+$0xB0]  }
0x1d: {  	v3 =	vld [tilespmem:s19+$0x0]  }
0x1e: {  	s29 =	sor.u32 $0x200, s17;
	[tilespmem:s15+$0x0] =	vst v2;
	v2 =	vsub.f32 v4, v5;
	v4 =	vld [tilespmem:s15+$0x80]  }
0x1f: {  	s20 =	sadd.s32 $0x10, s17;
	v5 =	vld [tilespmem:s29+$0x0]  }
0x20: {  	s30 =	sor.u32 $0x200, s20;
	[tilespmem:s15+$0x10] =	vst v2;
	v2 =	vld [tilespmem:s15+$0x90];
	v1 =	vsub.f32 v1, v6  }
0x21: {  	s31 =	sadd.s32 $0x20, s17;
	v6 =	vld [tilespmem:s30+$0x0]  }
0x22: {  	s21 =	sor.u32 $0x200, s31;
	v7 =	vld [tilespmem:s15+$0xA0];
	[tilespmem:s15+$0x20] =	vst v1;
	v0 =	vsub.f32 v0, v3  }
0x23: {  	v8 =	vld [tilespmem:s21+$0x0]  }
0x24: {  	s18 =	sor.u32 $0x280, s18;
	v3 =	vsub.f32 v4, v5;
	[tilespmem:s15+$0xB0] =	vst v0;
	v0 =	vld [tilespmem:s15+$0x130]  }
0x25: {  	v1 =	vld [tilespmem:s18+$0x0]  }
0x26: {  	s17 =	sor.u32 $0x280, s17;
	[tilespmem:s15+$0x80] =	vst v3;
	v3 =	vsub.f32 v2, v6;
	v2 =	vld [tilespmem:s15+$0x100]  }
0x27: {  	v4 =	vld [tilespmem:s17+$0x0]  }
0x28: {  	s19 =	simm.s32 $0x0;
	s21 =	sor.u32 $0x280, s20;
	s20 =	sor.u32 $0x280, s31;
	[tilespmem:s15+$0x90] =	vst v3;
	v3 =	vld [tilespmem:s15+$0x110];
	v5 =	vsub.f32 v7, v8  }
.LBB2_2:
0x29: {  	s16 =	sadd.s32 $0x40, s16;
	v6 =	vld [tilespmem:s21+$0x0];
	s19 =	sadd.s32 $0x200, s19  }
0x2a: {  	s17 =	sand.u32 $0x40, s16;
	s18 =	sand.u32 $0xFC00, s19;
	p1 =	slt.u32 s16, $0x1A80;
	[tilespmem:s15+$0xA0] =	vst v5;
	v5 =	vld [tilespmem:s15+$0x120];
	v0 =	vsub.f32 v0, v1  }
0x2b: {  	s21 =	sor.u32 s17, s18;
	v1 =	vld [tilespmem:s20+$0x0]  }
0x2c: {  	s17 =	simm.s32 $0x1AB0;
	s18 =	simm.s32 $0xD600;
	v7 =	vld [tilespmem:s21+$0x30];
	v2 =	vsub.f32 v2, v4;
	[tilespmem:s15+$0x130] =	vst v0  }
0x2d: {  	v0 =	vld [tilespmem:s21+$0x1B0]  }
0x2e: {  	v4 =	vld [tilespmem:s21+$0x0];
	[tilespmem:s15+$0x100] =	vst v2;
	v2 =	vsub.f32 v3, v6  }
0x2f: {  	p0 =	por !p0, !p0;
	s20 =	simm.s32 $0x1;
	v3 =	vld [tilespmem:s21+$0x180]  }
0x30: {  	s20 =	simm.s32 @!p0 $0x0;
	v6 =	vld [tilespmem:s21+$0x10];
	[tilespmem:s15+$0x110] =	vst v2;
	v1 =	vsub.f32 v5, v1  }
0x31: {  	s20 =	sshll.u32 s20, $0x6;
	v2 =	vld [tilespmem:s21+$0x190]  }
0x32: {  	s22 =	sadd.s32 s20, s19;
	v5 =	vld [tilespmem:s21+$0x20];
	v0 =	vsub.f32 v7, v0;
	[tilespmem:s15+$0x120] =	vst v1;
	s15 =	smov.u32 s21  }
0x33: {  	s20 =	sadd.s32 $0x10, s22;
	s23 =	sadd.s32 $0x20, s22;
	s24 =	sadd.s32 $0x30, s22;
	v1 =	vld [tilespmem:s15+$0x1A0]  }
0x34: {  	s25 =	sor.u32 $0x200, s20;
	s26 =	sor.u32 $0x200, s23;
	s28 =	sor.u32 $0x200, s24;
	v3 =	vsub.f32 v4, v3;
	[tilespmem:s15+$0x30] =	vst v0;
	v0 =	vld [tilespmem:s15+$0xB0]  }
0x35: {  	s29 =	sor.u32 $0x200, s22;
	s21 =	sor.u32 $0x280, s20;
	s20 =	sor.u32 $0x280, s23;
	v4 =	vld [tilespmem:s28+$0x0]  }
0x36: {  	s22 =	sor.u32 $0x280, s22;
	[tilespmem:s15+$0x0] =	vst v3;
	v3 =	vld [tilespmem:s15+$0x80];
	v2 =	vsub.f32 v6, v2  }
0x37: {  	v6 =	vld [tilespmem:s29+$0x0]  }
0x38: {  	[tilespmem:s15+$0x10] =	vst v2;
	v7 =	vld [tilespmem:s15+$0x90];
	v1 =	vsub.f32 v5, v1  }
0x39: {  	v5 =	vld [tilespmem:s25+$0x0]  }
0x3a: {  	[tilespmem:s15+$0x20] =	vst v1;
	v8 =	vld [tilespmem:s15+$0xA0];
	v0 =	vsub.f32 v0, v4  }
0x3b: {  	v9 =	vld [tilespmem:s26+$0x0]  }
.Ltmp0:
0x3c: {  	s23 =	sor.u32 $0x280, s24;
	v2 =	vsub.f32 v3, v6;
	[tilespmem:s15+$0xB0] =	vst v0;
	v0 =	vld [tilespmem:s15+$0x130];
	(pc) =	sbr.rel @p1 .LBB2_2-.Ltmp0, $4  }
0x3d: {  	v1 =	vld [tilespmem:s23+$0x0]  }
0x3e: {  	[tilespmem:s15+$0x80] =	vst v2;
	v2 =	vld [tilespmem:s15+$0x100];
	v3 =	vsub.f32 v7, v5  }
0x3f: {  	v4 =	vld [tilespmem:s22+$0x0]  }
0x40: {  	[tilespmem:s15+$0x90] =	vst v3;
	v3 =	vld [tilespmem:s15+$0x110];
	v5 =	vsub.f32 v8, v9  }
0x41: {  	v6 =	vld [tilespmem:s21+$0x0]  }
0x42: {  	v60 =	vld [tilespmem:s15+$0x120];
	[tilespmem:s15+$0xA0] =	vst v5  }
0x43: {  	v7 =	vld [tilespmem:s20+$0x0];
	_ =	sdelay $0x1  }
0x44: {  	v0 =	vsub.f32 v0, v1  }
0x45: {  	v61 =	vsub.f32 v2, v4  }
0x46: {  	[tilespmem:s15+$0x130] =	vst v0;
	v62 =	vsub.f32 v3, v6  }
0x47: {  	[tilespmem:s15+$0x100] =	vst v61;
	v63 =	vsub.f32 v60, v7  }
0x48: {  	[tilespmem:s15+$0x110] =	vst v62  }
0x49: {  	s16 =	simm.s32 $0x0;
	[tilespmem:s15+$0x120] =	vst v63  }
.LBB2_4:
0x4a: {  	s15 =	sand.u32 $0x3FFFFC00, s18  }
0x4b: {  	s15 =	sadd.s32 s15, s16  }
0x4c: {  	v0 =	vld [tilespmem:s15+$0x40]  }
0x4d: {  	v1 =	vld [tilespmem:s15+$0x1C0]  }
0x4e: {  	v2 =	vld [tilespmem:s15+$0xC0]  }
0x4f: {  	v3 =	vld [tilespmem:s15+$0x240]  }
0x50: {  	v4 =	vld [tilespmem:s15+$0x140]  }
0x51: {  	v5 =	vld [tilespmem:s15+$0x2C0]  }
0x52: {  	s17 =	sadd.s32 $0x10, s17  }
0x53: {  	p0 =	slt.u32 s17, $0x1AE0  }
.Ltmp1:
0x54: {  	v0 =	vsub.f32 v0, v1;
	(pc) =	sbr.rel @p0 .LBB2_4-.Ltmp1, $4  }
0x55: {  	v62 =	vsub.f32 v2, v3  }
0x56: {  	v63 =	vsub.f32 v4, v5;
	[tilespmem:s15+$0x40] =	vst v0  }
0x57: {  	[tilespmem:s15+$0xC0] =	vst v62  }
0x58: {  	s18 =	sadd.s32 $0x80, s18;
	s16 =	sadd.s32 $0x10, s16;
	[tilespmem:s15+$0x140] =	vst v63  }
0x59: {  	_ =	swait.ge [sflag:s11], $0xD800  }
0x5a: {  	[sflag:s11] =	ssyncset.done $0x0  }
0x5b: {  	[sflag:s11] =	ssyncadd.s32 $0xFFFF2800  }
0x5c: {  	s15 =	simm.s32 $0x0;
	s20 =	simm.s32 $0x0;
	_ =	swait.ge [sflag:s11], $0x1B00  }
0x5d: {  	s21 =	sand.u32 $0x60, s20;
	s16 =	sand.u32 $0xFC00, s15;
	[sflag:s11] =	ssyncset.done $0x0  }
0x5e: {  	s23 =	sor.u32 s21, s16;
	[sflag:s11] =	ssyncadd.s32 $0xFFFFE500  }
0x5f: {  	v0 =	vld [tilespmem:s23+$0xD800]  }
0x60: {  	s24 =	sor.u32 $0x10, s21;
	v3 =	vld [tilespmem:s23+$0xD880]  }
0x61: {  	s25 =	sor.u32 s24, s16;
	v5 =	vld [tilespmem:s23+$0xD900]  }
0x62: {  	v6 =	vld [tilespmem:s25+$0xD800]  }
0x63: {  	s17 =	simm.s32 $0x1B000;
	v11 =	vld [tilespmem:s25+$0xD880]  }
0x64: {  	v12 =	vld [tilespmem:s17+$0x0]  }
0x65: {  	s26 =	sadd.s32 $0xD800, s16;
	v15 =	vld [tilespmem:s25+$0xD900]  }
0x66: {  	s28 =	sor.u32 s24, s26;
	v7 =	vld [tilespmem:s23+$0x100]  }
0x67: {  	v16 =	vld [tilespmem:s28+$0x180]  }
0x68: {  	v9 =	vld [tilespmem:s23+$0x80]  }
0x69: {  	v17 =	vld [tilespmem:s28+$0x200]  }
0x6a: {  	v18 =	vld [tilespmem:s23+$0x0]  }
0x6b: {  	s20 =	sand.u32 $0x1F80, s20;
	v8 =	vld [tilespmem:s25+$0x100]  }
0x6c: {  	s20 =	sor.u32 s24, s20;
	v2 =	vld [tilespmem:s25+$0x80]  }
0x6d: {  	v4 =	vld [tilespmem:s20+$0x1B000]  }
0x6e: {  	s18 =	simm.s32 $0x100;
	s17 =	simm.s32 $0x20;
	v14 =	vld [tilespmem:s25+$0x0]  }
0x6f: {  	s22 =	sand.u32 $0xFC00, s18;
	s21 =	sor.u32 s21, s26;
	v26 =	vld [tilespmem:s28+$0x280];
	s16 =	sand.u32 $0x60, s17;
	v19 =	vand.u32 $0x7F, v0;
	v20 =	vand.u32 $0x7F, v3;
	v21 =	vand.u32 $0x7F, v5  }
0x70: {  	v28 =	vld [tilespmem:s21+$0x180];
	s19 =	sor.u32 s16, s22;
	v0 =	vshll.u32 v0, $0x3;
	v3 =	vshll.u32 v3, $0x3;
	v5 =	vshll.u32 v5, $0x3  }
0x71: {  	v13 =	vld [tilespmem:s19+$0xD800];
	v22 =	vand.u32 $0x7F, v6;
	v23 =	vand.u32 $0x7F, v11;
	v24 =	vand.u32 $0x7F, v15  }
0x72: {  	s30 =	sand.u32 $0x3, s15;
	v10 =	vld [tilespmem:s19+$0xD880];
	v25 =	vand.u32 $0x7F, v16;
	v27 =	vand.u32 $0x7F, v17;
	v0 =	vand.u32 $0xFFFFFC00, v0  }
0x73: {  	s20 =	sshll.u32 s30, $0x5;
	v1 =	vld [tilespmem:s19+$0xD900];
	v6 =	vshll.u32 v6, $0x3;
	v3 =	vand.u32 $0xFFFFFC00, v3;
	v0 =	vor.u32 v19, v0  }
0x74: {  	s20 =	sadd.s32 $0x0, s20;
	v11 =	vshll.u32 v11, $0x3;
	v5 =	vand.u32 $0xFFFFFC00, v5;
	v19 =	vld [tilespmem:s21+$0x200];
	v3 =	vor.u32 v20, v3  }
0x75: {  	s31 =	sor.u32 $0x300, s20;
	s20 =	sadd.s32 $0x10, s20;
	v15 =	vshll.u32 v15, $0x3;
	v6 =	vand.u32 $0xFFFFFC00, v6;
	v20 =	vld [tilespmem:s21+$0x280];
	v5 =	vor.u32 v21, v5  }
0x76: {  	s20 =	sor.u32 $0x300, s20;
	v16 =	vshll.u32 v16, $0x3;
	v11 =	vand.u32 $0xFFFFFC00, v11;
	v21 =	vld [tilespmem:s31+$0xD800];
	v6 =	vor.u32 v22, v6  }
0x77: {  	v17 =	vshll.u32 v17, $0x3;
	v15 =	vand.u32 $0xFFFFFC00, v15;
	v22 =	vld [tilespmem:s20+$0xD800];
	v11 =	vor.u32 v23, v11  }
0x78: {  	v35 =	vand.u32 $0x7F, v28;
	v16 =	vand.u32 $0xFFFFFC00, v16;
	v15 =	vor.u32 v24, v15;
	v23 =	vld.idx.msk [tilespmem:v0+s4+$0x0], $0xffff  }
0x79: {  	v28 =	vshll.u32 v28, $0x3;
	v17 =	vand.u32 $0xFFFFFC00, v17;
	v16 =	vor.u32 v25, v16;
	v24 =	vld.idx.msk [tilespmem:v3+s4+$0x0], $0xffff  }
0x7a: {  	v28 =	vand.u32 $0xFFFFFC00, v28;
	v17 =	vor.u32 v27, v17;
	v29 =	vld.idx.msk [tilespmem:v5+s4+$0x0], $0xffff  }
0x7b: {  	v28 =	vor.u32 v35, v28;
	v27 =	vld.idx.msk [tilespmem:v6+s4+$0x0], $0xffff  }
0x7c: {  	v31 =	vor.u32 $0x100, v3;
	v30 =	vld.idx.msk [tilespmem:v11+s4+$0x0], $0xffff  }
0x7d: {  	v33 =	vor.u32 $0x100, v5;
	v32 =	vld.idx.msk [tilespmem:v15+s4+$0x0], $0xffff  }
0x7e: {  	v42 =	vor.u32 $0x100, v16;
	v34 =	vld.idx.msk [tilespmem:v16+s4+$0x0], $0xffff  }
0x7f: {  	v25 =	vshll.u32 v26, $0x3;
	v44 =	vor.u32 $0x100, v17;
	v36 =	vld.idx.msk [tilespmem:v17+s4+$0x0], $0xffff  }
0x80: {  	v26 =	vand.u32 $0x7F, v26;
	v25 =	vand.u32 $0xFFFFFC00, v25;
	v50 =	vor.u32 $0x100, v28;
	v40 =	vld.idx.msk [tilespmem:v28+s4+$0x0], $0xffff  }
0x81: {  	v25 =	vor.u32 v26, v25;
	v31 =	vld.idx.msk [tilespmem:v31+s4+$0x0], $0xffff  }
0x82: {  	v26 =	vor.u32 $0x100, v0;
	v33 =	vld.idx.msk [tilespmem:v33+s4+$0x0], $0xffff  }
0x83: {  	v0 =	vor.u32 $0x80, v0;
	v42 =	vld.idx.msk [tilespmem:v42+s4+$0x0], $0xffff  }
0x84: {  	v3 =	vor.u32 $0x80, v3;
	v44 =	vld.idx.msk [tilespmem:v44+s4+$0x0], $0xffff  }
0x85: {  	v5 =	vor.u32 $0x80, v5;
	v50 =	vld.idx.msk [tilespmem:v50+s4+$0x0], $0xffff  }
0x86: {  	v37 =	vand.u32 $0x7F, v19;
	v19 =	vshll.u32 v19, $0x3;
	v16 =	vor.u32 $0x80, v16;
	v38 =	vld.idx.msk [tilespmem:v25+s4+$0x0], $0xffff  }
0x87: {  	v59 =	vshll.u32 v20, $0x3;
	v28 =	vor.u32 $0x80, v28;
	v19 =	vand.u32 $0xFFFFFC00, v19;
	v26 =	vld.idx.msk [tilespmem:v26+s4+$0x0], $0xffff  }
0x88: {  	v20 =	vand.u32 $0x7F, v20;
	v35 =	vand.u32 $0xFFFFFC00, v59;
	v19 =	vor.u32 v37, v19;
	v60 =	vld.idx.msk [tilespmem:v0+s4+$0x0], $0xffff  }
0x89: {  	v20 =	vor.u32 v20, v35;
	v61 =	vld.idx.msk [tilespmem:v3+s4+$0x0], $0xffff  }
0x8a: {  	v52 =	vor.u32 $0x100, v19;
	v39 =	vld.idx.msk [tilespmem:v5+s4+$0x0], $0xffff  }
0x8b: {  	v0 =	vor.u32 $0x100, v6;
	v16 =	vld.idx.msk [tilespmem:v16+s4+$0x0], $0xffff  }
0x8c: {  	v3 =	vor.u32 $0x100, v11;
	v62 =	vld.idx.msk [tilespmem:v28+s4+$0x0], $0xffff  }
0x8d: {  	v5 =	vor.u32 $0x100, v15;
	v41 =	vld.idx.msk [tilespmem:v19+s4+$0x0], $0xffff  }
0x8e: {  	v6 =	vor.u32 $0x80, v6;
	v43 =	vld.idx.msk [tilespmem:v20+s4+$0x0], $0xffff  }
0x8f: {  	v11 =	vor.u32 $0x80, v11;
	v52 =	vld.idx.msk [tilespmem:v52+s4+$0x0], $0xffff  }
0x90: {  	v54 =	vmul.f32 v18, v12;
	v17 =	vor.u32 $0x80, v17;
	v45 =	vld.idx.msk [tilespmem:v0+s4+$0x0], $0xffff  }
0x91: {  	v53 =	vor.u32 $0x100, v20;
	v15 =	vor.u32 $0x80, v15;
	v23 =	vadd.f32 v24, v23;
	v46 =	vld.idx.msk [tilespmem:v3+s4+$0x0], $0xffff  }
0x92: {  	v24 =	vadd.f32 v30, v27;
	v34 =	vadd.f32 v34, v32;
	v20 =	vor.u32 $0x80, v20;
	v47 =	vld.idx.msk [tilespmem:v5+s4+$0x0], $0xffff  }
0x93: {  	v0 =	vor.u32 $0x100, v25;
	v49 =	vld.idx.msk [tilespmem:v6+s4+$0x0], $0xffff;
	v25 =	vor.u32 $0x80, v25;
	v3 =	vand.u32 $0x7FFFFFFF, v7  }
0x94: {  	v51 =	vld.idx.msk [tilespmem:v11+s4+$0x0], $0xffff;
	v6 =	vand.u32 $0x7FFFFFFF, v18;
	v5 =	vand.u32 $0x7FFFFFFF, v9;
	v9 =	vmul.f32 v9, v12  }
0x95: {  	v7 =	vmul.f32 v7, v12;
	v18 =	vld.idx.msk [tilespmem:v17+s4+$0x0], $0xffff;
	v17 =	vor.u32 $0x80, v19;
	v19 =	vshll.u32 v22, $0x3  }
0x96: {  	v15 =	vld.idx.msk [tilespmem:v15+s4+$0x0], $0xffff;
	v12 =	vshll.u32 v21, $0x3;
	v22 =	vand.u32 $0x7F, v22;
	v19 =	vand.u32 $0xFFFFFC00, v19  }
0x97: {  	v21 =	vand.u32 $0x7F, v21;
	v55 =	vand.u32 $0xFFFFFC00, v12;
	v19 =	vor.u32 v22, v19;
	v22 =	vld.idx.msk [tilespmem:v53+s4+$0x0], $0xffff  }
0x98: {  	v63 =	vadd.f32 v40, v29;
	v32 =	vshll.u32 v13, $0x3;
	v21 =	vor.u32 v21, v55;
	v20 =	vld.idx.msk [tilespmem:v20+s4+$0x0], $0xffff  }
0x99: {  	v30 =	vshll.u32 v10, $0x3;
	v29 =	vshll.u32 v1, $0x3;
	v27 =	vor.u32 $0x100, v19;
	v48 =	vld.idx.msk [tilespmem:v0+s4+$0x0], $0xffff  }
0x9a: {  	v57 =	vadd.f32 v61, v60;
	v55 =	vadd.f32 v31, v26;
	v28 =	vor.u32 $0x80, v21;
	v25 =	vld.idx.msk [tilespmem:v25+s4+$0x0], $0xffff  }
0x9b: {  	v11 =	vand.u32 $0x7F, v13;
	v31 =	vadd.f32 v38, v36;
	v41 =	vadd.f32 v43, v41;
	v26 =	vld.idx.msk [tilespmem:v17+s4+$0x0], $0xffff  }
0x9c: {  	v56 =	vor.u32 $0x100, v21;
	v45 =	vadd.f32 v46, v45;
	v42 =	vadd.f32 v42, v47;
	v58 =	vld.idx.msk [tilespmem:v19+s4+$0x0], $0xffff  }
0x9d: {  	v59 =	vor.u32 $0x80, v19;
	v21 =	vld.idx.msk [tilespmem:v21+s4+$0x0], $0xffff;
	v19 =	vadd.f32 v51, v49;
	v61 =	vadd.f32 v22, v52  }
0x9e: {  	s25 =	sor.u32 $0x10, s16;
	v13 =	vand.u32 $0x7FFFFFFF, v2;
	v60 =	vld.idx.msk [tilespmem:v27+s4+$0x0], $0xffff;
	v27 =	vadd.f32 v16, v15;
	v15 =	vadd.f32 v50, v33  }
0x9f: {  	s20 =	sor.u32 s25, s22;
	v12 =	vand.u32 $0x7F, v10;
	v16 =	vld.idx.msk [tilespmem:v28+s4+$0x0], $0xffff;
	v44 =	vadd.f32 v48, v44;
	v28 =	vadd.f32 v25, v18  }
0xa0: {  	v37 =	vld [tilespmem:s20+$0xD800];
	v10 =	vand.u32 $0x7FFFFFFF, v8;
	v25 =	vadd.f32 v62, v39;
	v26 =	vadd.f32 v20, v26  }
0xa1: {  	v0 =	vimm.f32 $0.0e+00;
	v38 =	vld.idx.msk [tilespmem:v56+s4+$0x0], $0xffff;
	v18 =	vadd.f32 v34, v24;
	v62 =	vadd.f32 v63, v23  }
0xa2: {  	s26 =	sadd.s32 $0xD800, s22;
	v17 =	vand.u32 $0x7F, v1;
	v35 =	vld.idx.msk [tilespmem:v59+s4+$0x0], $0xffff;
	v23 =	vadd.f32 v42, v45;
	v39 =	vadd.f32 v15, v55  }
0xa3: {  	s28 =	sor.u32 s25, s26;
	v22 =	vmul.f32 v8, v4;
	v20 =	vadd.f32 v58, v31;
	v63 =	vadd.f32 v21, v41;
	v31 =	vld [tilespmem:s20+$0xD880]  }
0xa4: {  	v36 =	vld [tilespmem:s28+$0x180];
	v34 =	vmul.f32 v14, v4;
	v25 =	vadd.f32 v25, v57;
	v24 =	vadd.f32 v60, v44  }
0xa5: {  	s21 =	simm.s32 $0x1B020;
	v33 =	vld [tilespmem:s20+$0xD900];
	v21 =	vand.u32 $0x7FFFFFFF, v14;
	v16 =	vadd.f32 v16, v26;
	v8 =	vadd.f32 v63, v62  }
0xa6: {  	v1 =	vld [tilespmem:s21+$0x0];
	v26 =	vmul.f32 v2, v4;
	v40 =	vadd.f32 v38, v61;
	v38 =	vand.u32 $0x7F, v37  }
0xa7: {  	s23 =	simm.s32 $0x20;
	s22 =	simm.s32 $0x100;
	v2 =	vld [tilespmem:s19+$0x100];
	v4 =	vimm.f32 $0.0e+00;
	v42 =	vadd.f32 v16, v25;
	v41 =	vsub.f32 v54, v8  }
.LBB2_6:
0xa8: {  	s17 =	sadd.s32 $0x20, s17;
	v25 =	vld [tilespmem:s19+$0x80];
	v43 =	vand.u32 $0x7F, v31;
	s18 =	sadd.s32 $0x100, s18;
	v8 =	vadd.f32 v27, v19;
	v14 =	vadd.f32 v35, v28  }
0xa9: {  	v15 =	vadd.f32 v40, v39;
	s29 =	sand.u32 $0x60, s17;
	s24 =	sand.u32 $0xFC00, s18;
	p0 =	slt.u32 s17, $0x1AC0;
	v28 =	vld [tilespmem:s28+$0x200];
	v9 =	vsub.f32 v9, v42;
	v16 =	vand.u32 $0x7FFFFFFF, v41  }
0xaa: {  	v0 =	vadd.f32 v6, v0;
	v27 =	vld [tilespmem:s19+$0x0];
	s19 =	sor.u32 s29, s24;
	v35 =	vand.u32 $0x7F, v33;
	v4 =	vadd.f32 v16, v4  }
0xab: {  	v6 =	vsub.f32 v7, v15;
	v19 =	vld [tilespmem:s19+$0xD800];
	v7 =	vand.u32 $0x7FFFFFFF, v9;
	v9 =	vadd.f32 v20, v18  }
0xac: {  	v0 =	vadd.f32 v5, v0;
	v20 =	vld [tilespmem:s19+$0xD880];
	v39 =	vand.u32 $0x7F, v36;
	v4 =	vadd.f32 v7, v4  }
0xad: {  	v5 =	vand.u32 $0x7FFFFFFF, v6;
	v7 =	vadd.f32 v14, v8;
	v18 =	vld [tilespmem:s19+$0xD900];
	v6 =	vsub.f32 v34, v9  }
0xae: {  	s30 =	sand.u32 $0x1F80, s23;
	s23 =	smov.u32 s17;
	v0 =	vadd.f32 v3, v0;
	v15 =	vld [tilespmem:s20+$0x100];
	v9 =	vand.u32 $0x7F, v28;
	v3 =	vadd.f32 v5, v4  }
0xaf: {  	s25 =	sor.u32 s25, s30;
	v4 =	vsub.f32 v26, v7;
	v5 =	vadd.f32 v24, v23;
	v14 =	vld [tilespmem:s20+$0x80];
	v6 =	vand.u32 $0x7FFFFFFF, v6  }
0xb0: {  	v7 =	vshll.u32 v37, $0x3;
	v0 =	vadd.f32 v21, v0;
	v8 =	vld [tilespmem:s25+$0x1B000];
	v3 =	vadd.f32 v6, v3  }
0xb1: {  	s15 =	sadd.s32 $0x1, s15;
	v6 =	vand.u32 $0xFFFFFC00, v32;
	v5 =	vsub.f32 v22, v5;
	v4 =	vand.u32 $0x7FFFFFFF, v4;
	v16 =	vld [tilespmem:s20+$0x0]  }
0xb2: {  	v21 =	vand.u32 $0xFFFFFC00, v30;
	s25 =	sor.u32 s16, s26;
	v0 =	vadd.f32 v13, v0;
	s16 =	smov.u32 s29;
	s20 =	sand.u32 $0x3, s15;
	v22 =	vld [tilespmem:s28+$0x280];
	v3 =	vadd.f32 v4, v3  }
0xb3: {  	v6 =	vor.u32 v11, v6;
	v11 =	vand.u32 $0xFFFFFC00, v29;
	s20 =	sshll.u32 s20, $0x5;
	v4 =	vand.u32 $0x7FFFFFFF, v5;
	v13 =	vld [tilespmem:s25+$0x180]  }
0xb4: {  	v21 =	vor.u32 v12, v21;
	v0 =	vadd.f32 v10, v0;
	s20 =	sadd.s32 s20, s22;
	s22 =	smov.u32 s18;
	v5 =	vld [tilespmem:s25+$0x200];
	v4 =	vadd.f32 v4, v3  }
0xb5: {  	v7 =	vand.u32 $0xFFFFFC00, v7;
	v11 =	vor.u32 v17, v11;
	v10 =	vshll.u32 v31, $0x3;
	v3 =	vld [tilespmem:s25+$0x280];
	s25 =	sor.u32 $0x300, s20;
	s20 =	sadd.s32 $0x10, s20  }
0xb6: {  	v7 =	vor.u32 v38, v7;
	v17 =	vshll.u32 v33, $0x3;
	v10 =	vand.u32 $0xFFFFFC00, v10;
	v12 =	vld [tilespmem:s25+$0xD800];
	s20 =	sor.u32 $0x300, s20  }
0xb7: {  	v24 =	vor.u32 v43, v10;
	v10 =	vand.u32 $0xFFFFFC00, v17;
	v17 =	vshll.u32 v36, $0x3;
	v23 =	vld [tilespmem:s20+$0xD800]  }
0xb8: {  	v29 =	vor.u32 v35, v10;
	v10 =	vand.u32 $0xFFFFFC00, v17;
	v17 =	vshll.u32 v28, $0x3;
	v26 =	vld.idx.msk [tilespmem:v6+s4+$0x0], $0xffff  }
0xb9: {  	v30 =	vor.u32 v39, v10;
	v17 =	vand.u32 $0xFFFFFC00, v17;
	v31 =	vshll.u32 v22, $0x3;
	v28 =	vld.idx.msk [tilespmem:v21+s4+$0x0], $0xffff  }
0xba: {  	v9 =	vor.u32 v9, v17;
	v17 =	vand.u32 $0x7F, v22;
	v22 =	vand.u32 $0xFFFFFC00, v31;
	v10 =	vld.idx.msk [tilespmem:v11+s4+$0x0], $0xffff  }
0xbb: {  	v17 =	vor.u32 v17, v22;
	v31 =	vld.idx.msk [tilespmem:v7+s4+$0x0], $0xffff  }
0xbc: {  	v22 =	vor.u32 $0x100, v6;
	v32 =	vld.idx.msk [tilespmem:v24+s4+$0x0], $0xffff  }
0xbd: {  	v33 =	vor.u32 $0x100, v21;
	v34 =	vld.idx.msk [tilespmem:v29+s4+$0x0], $0xffff  }
0xbe: {  	v35 =	vor.u32 $0x100, v11;
	v36 =	vld.idx.msk [tilespmem:v30+s4+$0x0], $0xffff  }
0xbf: {  	v37 =	vand.u32 $0x7F, v13;
	v6 =	vor.u32 $0x80, v6;
	v38 =	vld.idx.msk [tilespmem:v9+s4+$0x0], $0xffff  }
0xc0: {  	v13 =	vshll.u32 v13, $0x3;
	v39 =	vand.u32 $0x7F, v5;
	v21 =	vor.u32 $0x80, v21;
	v40 =	vld.idx.msk [tilespmem:v17+s4+$0x0], $0xffff  }
0xc1: {  	v13 =	vand.u32 $0xFFFFFC00, v13;
	v5 =	vshll.u32 v5, $0x3;
	v11 =	vor.u32 $0x80, v11;
	v22 =	vld.idx.msk [tilespmem:v22+s4+$0x0], $0xffff  }
0xc2: {  	v13 =	vor.u32 v37, v13;
	v5 =	vand.u32 $0xFFFFFC00, v5;
	v37 =	vshll.u32 v3, $0x3;
	v33 =	vld.idx.msk [tilespmem:v33+s4+$0x0], $0xffff  }
0xc3: {  	v3 =	vand.u32 $0x7F, v3;
	v39 =	vor.u32 v39, v5;
	v5 =	vand.u32 $0xFFFFFC00, v37;
	v35 =	vld.idx.msk [tilespmem:v35+s4+$0x0], $0xffff  }
0xc4: {  	v37 =	vor.u32 v3, v5;
	v41 =	vld.idx.msk [tilespmem:v6+s4+$0x0], $0xffff  }
0xc5: {  	v3 =	vor.u32 $0x100, v7;
	v21 =	vld.idx.msk [tilespmem:v21+s4+$0x0], $0xffff  }
0xc6: {  	v5 =	vor.u32 $0x100, v24;
	v42 =	vld.idx.msk [tilespmem:v11+s4+$0x0], $0xffff  }
0xc7: {  	v6 =	vor.u32 $0x100, v29;
	v43 =	vld.idx.msk [tilespmem:v13+s4+$0x0], $0xffff  }
0xc8: {  	v11 =	vor.u32 $0x100, v30;
	v44 =	vld.idx.msk [tilespmem:v39+s4+$0x0], $0xffff  }
0xc9: {  	v46 =	vor.u32 $0x100, v9;
	v45 =	vld.idx.msk [tilespmem:v37+s4+$0x0], $0xffff  }
0xca: {  	v47 =	vld.idx.msk [tilespmem:v3+s4+$0x0], $0xffff;
	v3 =	vor.u32 $0x100, v17  }
0xcb: {  	v7 =	vor.u32 $0x80, v7;
	v48 =	vld.idx.msk [tilespmem:v5+s4+$0x0], $0xffff  }
0xcc: {  	v5 =	vor.u32 $0x80, v24;
	v24 =	vld.idx.msk [tilespmem:v6+s4+$0x0], $0xffff  }
0xcd: {  	v29 =	vor.u32 $0x80, v29;
	v49 =	vld.idx.msk [tilespmem:v11+s4+$0x0], $0xffff  }
0xce: {  	v11 =	vor.u32 $0x80, v30;
	v30 =	vld.idx.msk [tilespmem:v46+s4+$0x0], $0xffff  }
0xcf: {  	v46 =	vor.u32 $0x80, v9;
	v50 =	vld.idx.msk [tilespmem:v3+s4+$0x0], $0xffff  }
0xd0: {  	v17 =	vor.u32 $0x80, v17;
	v51 =	vld.idx.msk [tilespmem:v7+s4+$0x0], $0xffff  }
0xd1: {  	v52 =	vor.u32 $0x100, v13;
	v3 =	vand.u32 $0x7FFFFFFF, v2;
	v53 =	vld.idx.msk [tilespmem:v5+s4+$0x0], $0xffff  }
0xd2: {  	v54 =	vor.u32 $0x100, v39;
	v6 =	vand.u32 $0x7FFFFFFF, v27;
	v5 =	vand.u32 $0x7FFFFFFF, v25;
	v29 =	vld.idx.msk [tilespmem:v29+s4+$0x0], $0xffff  }
0xd3: {  	v55 =	vor.u32 $0x100, v37;
	v9 =	vmul.f32 v25, v1;
	v7 =	vmul.f32 v2, v1;
	v2 =	vld.idx.msk [tilespmem:v11+s4+$0x0], $0xffff  }
0xd4: {  	v13 =	vor.u32 $0x80, v13;
	v25 =	vmul.f32 v27, v1;
	v11 =	vand.u32 $0x7F, v19;
	v1 =	vld.idx.msk [tilespmem:v46+s4+$0x0], $0xffff  }
0xd5: {  	v39 =	vor.u32 $0x80, v39;
	v27 =	vshll.u32 v12, $0x3;
	v46 =	vshll.u32 v23, $0x3;
	v56 =	vld.idx.msk [tilespmem:v17+s4+$0x0], $0xffff  }
0xd6: {  	v23 =	vand.u32 $0x7F, v23;
	v17 =	vor.u32 $0x80, v37;
	v46 =	vand.u32 $0xFFFFFC00, v46;
	v37 =	vld.idx.msk [tilespmem:v52+s4+$0x0], $0xffff  }
0xd7: {  	v27 =	vand.u32 $0xFFFFFC00, v27;
	v52 =	vand.u32 $0x7F, v12;
	v23 =	vor.u32 v23, v46;
	v54 =	vld.idx.msk [tilespmem:v54+s4+$0x0], $0xffff  }
0xd8: {  	v26 =	vadd.f32 v28, v26;
	v12 =	vand.u32 $0x7F, v20;
	v27 =	vor.u32 v52, v27;
	v46 =	vld.idx.msk [tilespmem:v55+s4+$0x0], $0xffff  }
0xd9: {  	v31 =	vadd.f32 v32, v31;
	v34 =	vadd.f32 v36, v34;
	v28 =	vor.u32 $0x100, v23;
	v13 =	vld.idx.msk [tilespmem:v13+s4+$0x0], $0xffff  }
0xda: {  	v52 =	vadd.f32 v33, v22;
	v22 =	vadd.f32 v40, v38;
	v36 =	vld.idx.msk [tilespmem:v39+s4+$0x0], $0xffff;
	v39 =	vor.u32 $0x80, v27  }
0xdb: {  	v41 =	vadd.f32 v21, v41;
	v40 =	vadd.f32 v43, v10;
	v38 =	vor.u32 $0x100, v27;
	v33 =	vld.idx.msk [tilespmem:v17+s4+$0x0], $0xffff  }
0xdc: {  	v21 =	vadd.f32 v45, v44;
	v44 =	vadd.f32 v48, v47;
	v17 =	vand.u32 $0x7F, v18;
	v43 =	vld.idx.msk [tilespmem:v23+s4+$0x0], $0xffff  }
0xdd: {  	v24 =	vadd.f32 v49, v24;
	v47 =	vadd.f32 v50, v30;
	v23 =	vor.u32 $0x80, v23;
	v45 =	vld.idx.msk [tilespmem:v27+s4+$0x0], $0xffff  }
0xde: {  	v32 =	vshll.u32 v19, $0x3;
	v19 =	vadd.f32 v53, v51;
	v27 =	vadd.f32 v2, v29;
	v48 =	vld.idx.msk [tilespmem:v28+s4+$0x0], $0xffff  }
0xdf: {  	s25 =	sor.u32 $0x10, s16;
	v30 =	vshll.u32 v20, $0x3;
	v28 =	vadd.f32 v56, v1;
	v2 =	vld.idx.msk [tilespmem:v39+s4+$0x0], $0xffff;
	v39 =	vadd.f32 v37, v35  }
0xe0: {  	s20 =	sor.u32 s25, s24;
	v29 =	vshll.u32 v18, $0x3;
	v46 =	vadd.f32 v46, v54;
	v42 =	vadd.f32 v13, v42;
	v38 =	vld.idx.msk [tilespmem:v38+s4+$0x0], $0xffff  }
0xe1: {  	v10 =	vand.u32 $0x7FFFFFFF, v15;
	v18 =	vadd.f32 v34, v31;
	v36 =	vadd.f32 v33, v36;
	v37 =	vld [tilespmem:s20+$0xD800]  }
0xe2: {  	v26 =	vadd.f32 v40, v26;
	v13 =	vand.u32 $0x7FFFFFFF, v14;
	v20 =	vadd.f32 v43, v22;
	v35 =	vld.idx.msk [tilespmem:v23+s4+$0x0], $0xffff  }
.Ltmp2:
0xe3: {  	s21 =	sadd.s32 $0x20, s21;
	v34 =	vadd.f32 v45, v21;
	v21 =	vand.u32 $0x7FFFFFFF, v16;
	v23 =	vadd.f32 v24, v44;
	v31 =	vld [tilespmem:s20+$0xD880];
	(pc) =	sbr.rel @p0 .LBB2_6-.Ltmp2, $4  }
0xe4: {  	v42 =	vadd.f32 v42, v41;
	v22 =	vmul.f32 v15, v8;
	v24 =	vadd.f32 v48, v47;
	v1 =	vld [tilespmem:s21+$0x0]  }
0xe5: {  	s26 =	sadd.s32 $0xD800, s24;
	v15 =	vadd.f32 v34, v26;
	v43 =	vadd.f32 v2, v36;
	v26 =	vmul.f32 v14, v8;
	v33 =	vld [tilespmem:s20+$0xD900]  }
0xe6: {  	s28 =	sor.u32 s25, s26;
	v39 =	vadd.f32 v39, v52;
	v34 =	vmul.f32 v16, v8;
	v40 =	vadd.f32 v38, v46;
	v2 =	vld [tilespmem:s19+$0x100]  }
0xe7: {  	v38 =	vand.u32 $0x7F, v37;
	v41 =	vsub.f32 v25, v15;
	v42 =	vadd.f32 v43, v42;
	v36 =	vld [tilespmem:s28+$0x180]  }
0xe8: {  	v25 =	vld [tilespmem:s19+$0x80]  }
0xe9: {  	v43 =	vld [tilespmem:s28+$0x200]  }
0xea: {  	v16 =	vld [tilespmem:s19+$0x0]  }
0xeb: {  	v8 =	vld [tilespmem:s20+$0x100]  }
0xec: {  	v15 =	vld [tilespmem:s20+$0x0]  }
0xed: {  	s15 =	sadd.s32 $0x1, s15;
	s16 =	sor.u32 s16, s26;
	v47 =	vld [tilespmem:s28+$0x280]  }
0xee: {  	v44 =	vand.u32 $0x7F, v31;
	v32 =	vand.u32 $0xFFFFFC00, v32;
	s15 =	sand.u32 $0x3, s15;
	v49 =	vld [tilespmem:s16+$0x180]  }
0xef: {  	s17 =	sand.u32 $0x1F80, s23;
	v30 =	vand.u32 $0xFFFFFC00, v30;
	v57 =	vshll.u32 v37, $0x3;
	v11 =	vor.u32 v11, v32;
	v37 =	vld [tilespmem:s16+$0x200];
	s15 =	sshll.u32 s15, $0x5  }
0xf0: {  	v29 =	vand.u32 $0xFFFFFC00, v29;
	v59 =	vshll.u32 v31, $0x3;
	s17 =	sor.u32 s25, s17;
	v12 =	vor.u32 v12, v30;
	v30 =	vld [tilespmem:s16+$0x280];
	s15 =	sadd.s32 s15, s22  }
0xf1: {  	v17 =	vor.u32 v17, v29;
	v58 =	vand.u32 $0xFFFFFC00, v57;
	v31 =	vand.u32 $0xFFFFFC00, v59;
	v14 =	vld [tilespmem:s17+$0x1B000];
	s31 =	sor.u32 $0x300, s15;
	s15 =	sadd.s32 $0x10, s15  }
0xf2: {  	v45 =	vand.u32 $0x7F, v33;
	v29 =	vor.u32 v38, v58;
	v60 =	vshll.u32 v33, $0x3;
	v32 =	vld [tilespmem:s31+$0xD800];
	s15 =	sor.u32 $0x300, s15  }
0xf3: {  	v31 =	vor.u32 v44, v31;
	v63 =	vor.u32 $0x100, v11;
	v52 =	vor.u32 $0x100, v12;
	v38 =	vld [tilespmem:s15+$0xD800]  }
0xf4: {  	v54 =	vor.u32 $0x100, v17;
	v33 =	vand.u32 $0xFFFFFC00, v60;
	v61 =	vshll.u32 v36, $0x3;
	v44 =	vld.idx.msk [tilespmem:v11+s4+$0x0], $0xffff  }
0xf5: {  	v33 =	vor.u32 v45, v33;
	v48 =	vand.u32 $0x7F, v43;
	v43 =	vshll.u32 v43, $0x3;
	v45 =	vld.idx.msk [tilespmem:v12+s4+$0x0], $0xffff  }
0xf6: {  	v46 =	vand.u32 $0x7F, v36;
	v36 =	vand.u32 $0xFFFFFC00, v61;
	v43 =	vand.u32 $0xFFFFFC00, v43;
	v50 =	vld.idx.msk [tilespmem:v17+s4+$0x0], $0xffff  }
0xf7: {  	v62 =	vshll.u32 v47, $0x3;
	v47 =	vand.u32 $0x7F, v47;
	v43 =	vor.u32 v48, v43;
	v48 =	vld.idx.msk [tilespmem:v29+s4+$0x0], $0xffff  }
0xf8: {  	v61 =	vor.u32 $0x100, v29;
	v36 =	vor.u32 v46, v36;
	v46 =	vand.u32 $0xFFFFFC00, v62;
	v51 =	vld.idx.msk [tilespmem:v31+s4+$0x0], $0xffff  }
0xf9: {  	v9 =	vsub.f32 v9, v42;
	v42 =	vor.u32 $0x100, v33;
	v46 =	vor.u32 v47, v46;
	v47 =	vld.idx.msk [tilespmem:v63+s4+$0x0], $0xffff  }
0xfa: {  	v52 =	vld.idx.msk [tilespmem:v52+s4+$0x0], $0xffff  }
0xfb: {  	v11 =	vor.u32 $0x80, v11;
	v54 =	vld.idx.msk [tilespmem:v54+s4+$0x0], $0xffff  }
0xfc: {  	v12 =	vor.u32 $0x80, v12;
	v53 =	vld.idx.msk [tilespmem:v33+s4+$0x0], $0xffff  }
0xfd: {  	v18 =	vadd.f32 v20, v18;
	v17 =	vor.u32 $0x80, v17;
	v20 =	vld.idx.msk [tilespmem:v61+s4+$0x0], $0xffff  }
0xfe: {  	v62 =	vor.u32 $0x100, v31;
	v61 =	vor.u32 $0x80, v29;
	v29 =	vld.idx.msk [tilespmem:v42+s4+$0x0], $0xffff  }
0xff: {  	v55 =	vld.idx.msk [tilespmem:v36+s4+$0x0], $0xffff  }
0x100: {  	v19 =	vadd.f32 v27, v19;
	v39 =	vadd.f32 v40, v39;
	v11 =	vld.idx.msk [tilespmem:v11+s4+$0x0], $0xffff  }
0x101: {  	v0 =	vadd.f32 v6, v0;
	v56 =	vand.u32 $0x7F, v49;
	v49 =	vshll.u32 v49, $0x3;
	v12 =	vld.idx.msk [tilespmem:v12+s4+$0x0], $0xffff  }
0x102: {  	v58 =	vand.u32 $0x7F, v37;
	v37 =	vshll.u32 v37, $0x3;
	v49 =	vand.u32 $0xFFFFFC00, v49;
	v17 =	vld.idx.msk [tilespmem:v17+s4+$0x0], $0xffff  }
0x103: {  	v28 =	vadd.f32 v35, v28;
	v37 =	vand.u32 $0xFFFFFC00, v37;
	v49 =	vor.u32 v56, v49;
	v27 =	vld.idx.msk [tilespmem:v62+s4+$0x0], $0xffff  }
0x104: {  	v7 =	vsub.f32 v7, v39;
	v0 =	vadd.f32 v5, v0;
	v37 =	vor.u32 v58, v37;
	v57 =	vld.idx.msk [tilespmem:v43+s4+$0x0], $0xffff  }
0x105: {  	v60 =	vshll.u32 v30, $0x3;
	v30 =	vand.u32 $0x7F, v30;
	v58 =	vor.u32 $0x100, v36;
	v59 =	vld.idx.msk [tilespmem:v46+s4+$0x0], $0xffff  }
0x106: {  	v63 =	vand.u32 $0x7FFFFFFF, v41;
	v40 =	vor.u32 $0x100, v43;
	v39 =	vadd.f32 v52, v47;
	v47 =	vld [tilespmem:$0x1ACE0]  }
0x107: {  	v56 =	vand.u32 $0xFFFFFC00, v60;
	v4 =	vadd.f32 v63, v4;
	v63 =	vor.u32 $0x80, v31;
	v52 =	vld [tilespmem:$0x1AE60]  }
0x108: {  	v0 =	vadd.f32 v3, v0;
	v60 =	vand.u32 $0x7FFFFFFF, v9;
	v30 =	vor.u32 v30, v56;
	v35 =	vld.idx.msk [tilespmem:v49+s4+$0x0], $0xffff  }
0x109: {  	v19 =	vadd.f32 v28, v19;
	v56 =	vor.u32 $0x100, v46;
	v4 =	vadd.f32 v60, v4;
	v41 =	vld.idx.msk [tilespmem:v37+s4+$0x0], $0xffff  }
0x10a: {  	v7 =	vand.u32 $0x7FFFFFFF, v7;
	v0 =	vadd.f32 v21, v0;
	v33 =	vor.u32 $0x80, v33;
	v31 =	vld.idx.msk [tilespmem:v58+s4+$0x0], $0xffff  }
0x10b: {  	v62 =	vsub.f32 v34, v18;
	v34 =	vadd.f32 v7, v4;
	v7 =	vld.idx.msk [tilespmem:v40+s4+$0x0], $0xffff  }
0x10c: {  	v19 =	vsub.f32 v26, v19;
	v42 =	vor.u32 $0x80, v36;
	v18 =	vld.idx.msk [tilespmem:v63+s4+$0x0], $0xffff  }
0x10d: {  	v23 =	vadd.f32 v24, v23;
	v0 =	vadd.f32 v13, v0;
	v60 =	vor.u32 $0x100, v49;
	v6 =	vld.idx.msk [tilespmem:v30+s4+$0x0], $0xffff  }
0x10e: {  	v19 =	vand.u32 $0x7FFFFFFF, v19;
	v26 =	vld.idx.msk [tilespmem:v56+s4+$0x0], $0xffff  }
0x10f: {  	v0 =	vadd.f32 v10, v0;
	v43 =	vor.u32 $0x80, v43;
	v58 =	vsub.f32 v22, v23;
	v23 =	vld.idx.msk [tilespmem:v33+s4+$0x0], $0xffff  }
0x110: {  	v5 =	vand.u32 $0x7FFFFFFF, v62;
	v62 =	vor.u32 $0x100, v30;
	v63 =	vor.u32 $0x80, v49;
	v9 =	vld.idx.msk [tilespmem:v61+s4+$0x0], $0xffff  }
0x111: {  	v40 =	vshll.u32 v32, $0x3;
	v32 =	vand.u32 $0x7F, v32;
	v56 =	vor.u32 $0x80, v46;
	v4 =	vld.idx.msk [tilespmem:v42+s4+$0x0], $0xffff  }
0x112: {  	v3 =	vadd.f32 v5, v34;
	v30 =	vor.u32 $0x80, v30;
	v46 =	vand.u32 $0x7F, v38;
	v22 =	vld.idx.msk [tilespmem:v60+s4+$0x0], $0xffff  }
0x113: {  	v28 =	vand.u32 $0xFFFFFC00, v40;
	v61 =	vor.u32 $0x100, v37;
	v60 =	vadd.f32 v51, v48;
	v51 =	vld [tilespmem:$0x1ADE0]  }
0x114: {  	v5 =	vand.u32 $0x7FFFFFFF, v58;
	v42 =	vor.u32 $0x80, v37;
	v49 =	vor.u32 v32, v28;
	v24 =	vld.idx.msk [tilespmem:v43+s4+$0x0], $0xffff  }
0x115: {  	v3 =	vadd.f32 v19, v3;
	v11 =	vadd.f32 v12, v11;
	v12 =	vand.u32 $0x7FFFFFFF, v25;
	v19 =	vld.idx.msk [tilespmem:v62+s4+$0x0], $0xffff  }
0x116: {  	v20 =	vadd.f32 v27, v20;
	v25 =	vmul.f32 v25, v1;
	v43 =	vshll.u32 v38, $0x3;
	v10 =	vld.idx.msk [tilespmem:v63+s4+$0x0], $0xffff  }
0x117: {  	v38 =	vand.u32 $0x7FFFFFFF, v2;
	v2 =	vmul.f32 v2, v1;
	v1 =	vmul.f32 v16, v1;
	v21 =	vld.idx.msk [tilespmem:v56+s4+$0x0], $0xffff  }
0x118: {  	v32 =	vand.u32 $0x7F, v52;
	v3 =	vadd.f32 v5, v3;
	v62 =	vadd.f32 v59, v57;
	v30 =	vld.idx.msk [tilespmem:v30+s4+$0x0], $0xffff  }
0x119: {  	v34 =	vand.u32 $0xFFFFFC00, v43;
	v35 =	vadd.f32 v35, v50;
	v56 =	vadd.f32 v45, v44;
	v45 =	vld [tilespmem:$0x1AC60]  }
0x11a: {  	v29 =	vadd.f32 v31, v29;
	v5 =	vor.u32 $0x100, v49;
	v34 =	vor.u32 v46, v34;
	v13 =	vld.idx.msk [tilespmem:v61+s4+$0x0], $0xffff  }
0x11b: {  	v6 =	vadd.f32 v6, v41;
	v7 =	vadd.f32 v26, v7;
	v46 =	vor.u32 $0x80, v49;
	v33 =	vld.idx.msk [tilespmem:v42+s4+$0x0], $0xffff  }
0x11c: {  	v58 =	vor.u32 $0x100, v34;
	v61 =	vadd.f32 v55, v53;
	v43 =	vld.idx.msk [tilespmem:v49+s4+$0x0], $0xffff;
	v9 =	vadd.f32 v18, v9  }
0x11d: {  	v42 =	vand.u32 $0x7FFFFFFF, v16;
	v4 =	vadd.f32 v4, v23;
	v16 =	vadd.f32 v22, v54;
	v49 =	vld [tilespmem:$0x1AD60]  }
0x11e: {  	v50 =	vor.u32 $0x80, v34;
	v20 =	vadd.f32 v29, v20;
	v55 =	vld [tilespmem:$0x1AEE0];
	v59 =	vand.u32 $0x7F, v51  }
0x11f: {  	v29 =	vshll.u32 v51, $0x3;
	v28 =	vadd.f32 v35, v56;
	v56 =	vand.u32 $0x7F, v47;
	v5 =	vld.idx.msk [tilespmem:v5+s4+$0x0], $0xffff  }
0x120: {  	v29 =	vand.u32 $0xFFFFFC00, v29;
	v0 =	vadd.f32 v42, v0;
	v23 =	vadd.f32 v61, v60;
	v63 =	vld.idx.msk [tilespmem:v34+s4+$0x0], $0xffff  }
0x121: {  	v60 =	vshll.u32 v52, $0x3;
	v26 =	vor.u32 v59, v29;
	v10 =	vadd.f32 v10, v17;
	v34 =	vld [tilespmem:s20+$0x80]  }
0x122: {  	v17 =	vshll.u32 v47, $0x3;
	v35 =	vand.u32 $0xFFFFFC00, v60;
	v18 =	vadd.f32 v21, v24;
	v22 =	vld.idx.msk [tilespmem:v46+s4+$0x0], $0xffff  }
0x123: {  	v53 =	vshll.u32 v45, $0x3;
	v17 =	vand.u32 $0xFFFFFC00, v17;
	v29 =	vor.u32 v32, v35;
	v35 =	vld [tilespmem:$0xD460]  }
0x124: {  	v21 =	vand.u32 $0x7F, v45;
	v46 =	vmul.f32 v15, v14;
	v44 =	vld.idx.msk [tilespmem:v58+s4+$0x0], $0xffff;
	v17 =	vor.u32 v56, v17  }
0x125: {  	v48 =	vadd.f32 v30, v33;
	v54 =	vand.u32 $0xFFFFFC00, v53;
	v57 =	vshll.u32 v49, $0x3;
	v58 =	vld [tilespmem:$0x1AF60]  }
0x126: {  	v24 =	vand.u32 $0x7F, v49;
	v30 =	vld.idx.msk [tilespmem:v50+s4+$0x0], $0xffff;
	v53 =	vor.u32 $0x80, v26;
	v36 =	vand.u32 $0xFFFFFC00, v57  }
0x127: {  	v13 =	vadd.f32 v19, v13;
	v10 =	vadd.f32 v10, v11;
	v24 =	vor.u32 v24, v36;
	v36 =	vld [tilespmem:$0x1CAE0]  }
0x128: {  	v11 =	vmul.f32 v8, v14;
	v61 =	vshll.u32 v55, $0x3;
	v21 =	vor.u32 v21, v54;
	v49 =	vld.idx.msk [tilespmem:v29+s4+$0x0], $0xffff  }
0x129: {  	v33 =	vand.u32 $0x7F, v55;
	v47 =	vor.u32 $0x80, v17;
	v19 =	vadd.f32 v22, v48;
	v22 =	vld.idx.msk [tilespmem:v17+s4+$0x0], $0xffff  }
0x12a: {  	v55 =	vor.u32 $0x80, v29;
	v7 =	vadd.f32 v44, v7;
	v44 =	vmul.f32 v34, v14;
	v14 =	vld.idx.msk [tilespmem:v26+s4+$0x0], $0xffff  }
0x12b: {  	v0 =	vadd.f32 v12, v0;
	v32 =	vand.u32 $0xFFFFFC00, v61;
	v61 =	vor.u32 $0x100, v17;
	v60 =	vld.idx.msk [tilespmem:v53+s4+$0x0], $0xffff  }
0x12c: {  	v27 =	vand.u32 $0x7FFFFFFF, v15;
	v16 =	vadd.f32 v16, v39;
	v53 =	vld [tilespmem:$0xD560]  }
0x12d: {  	v6 =	vadd.f32 v43, v6;
	v0 =	vadd.f32 v38, v0;
	v32 =	vor.u32 v33, v32;
	v41 =	vld.idx.msk [tilespmem:v21+s4+$0x0], $0xffff  }
0x12e: {  	v45 =	vor.u32 $0x80, v21;
	v31 =	vadd.f32 v63, v62;
	v62 =	vshll.u32 v58, $0x3;
	v57 =	vld.idx.msk [tilespmem:v47+s4+$0x0], $0xffff  }
0x12f: {  	v4 =	vadd.f32 v4, v9;
	v6 =	vadd.f32 v6, v28;
	v43 =	vand.u32 $0xFFFFFC00, v62;
	v62 =	vld.idx.msk [tilespmem:v55+s4+$0x0], $0xffff  }
0x130: {  	v40 =	vor.u32 $0x100, v29;
	v0 =	vadd.f32 v27, v0;
	v50 =	vor.u32 $0x80, v24;
	v12 =	vld.idx.msk [tilespmem:v61+s4+$0x0], $0xffff  }
0x131: {  	v5 =	vadd.f32 v5, v13;
	v56 =	vor.u32 $0x80, v32;
	v1 =	vsub.f32 v1, v6;
	v37 =	vld.idx.msk [tilespmem:v24+s4+$0x0], $0xffff  }
0x132: {  	v63 =	vand.u32 $0x7F, v58;
	v51 =	vadd.f32 v30, v18;
	v21 =	vor.u32 $0x100, v21;
	v52 =	vld.idx.msk [tilespmem:v32+s4+$0x0], $0xffff  }
0x133: {  	v5 =	vadd.f32 v5, v16;
	v59 =	vadd.f32 v31, v23;
	v31 =	vor.u32 $0x100, v26;
	v39 =	vld.idx.msk [tilespmem:v45+s4+$0x0], $0xffff  }
0x134: {  	v1 =	vand.u32 $0x7FFFFFFF, v1;
	v28 =	vor.u32 v63, v43;
	v4 =	vadd.f32 v51, v4;
	v51 =	vld [tilespmem:$0xD4E0]  }
0x135: {  	v48 =	vadd.f32 v19, v10;
	v1 =	vadd.f32 v1, v3;
	v63 =	vor.u32 $0x100, v24;
	v19 =	vld.idx.msk [tilespmem:v50+s4+$0x0], $0xffff  }
0x136: {  	v2 =	vsub.f32 v2, v5;
	v7 =	vadd.f32 v7, v20;
	v43 =	vor.u32 $0x100, v32;
	v30 =	vld.idx.msk [tilespmem:v56+s4+$0x0], $0xffff  }
0x137: {  	v6 =	vsub.f32 v25, v48;
	v58 =	vor.u32 $0x80, v28;
	v13 =	vsub.f32 v46, v59;
	v42 =	vld.idx.msk [tilespmem:v21+s4+$0x0], $0xffff  }
0x138: {  	v46 =	vor.u32 $0x100, v28;
	v33 =	vsub.f32 v44, v4;
	v44 =	vand.u32 $0x7FFFFFFF, v34;
	v48 =	vld.idx.msk [tilespmem:v31+s4+$0x0], $0xffff  }
0x139: {  	v7 =	vsub.f32 v11, v7;
	v6 =	vand.u32 $0x7FFFFFFF, v6;
	v0 =	vadd.f32 v44, v0;
	v54 =	vld.idx.msk [tilespmem:v28+s4+$0x0], $0xffff  }
0x13a: {  	v1 =	vadd.f32 v6, v1;
	v47 =	vadd.f32 v22, v41;
	v45 =	vld.idx.msk [tilespmem:v63+s4+$0x0], $0xffff  }
0x13b: {  	v2 =	vand.u32 $0x7FFFFFFF, v2;
	v14 =	vadd.f32 v14, v37;
	v10 =	vadd.f32 v52, v49;
	v49 =	vld.idx.msk [tilespmem:v40+s4+$0x0], $0xffff  }
0x13c: {  	v50 =	vld.idx.msk [tilespmem:v43+s4+$0x0], $0xffff;
	v3 =	vadd.f32 v57, v39;
	v1 =	vadd.f32 v2, v1  }
0x13d: {  	v13 =	vand.u32 $0x7FFFFFFF, v13;
	v38 =	vld.idx.msk [tilespmem:v58+s4+$0x0], $0xffff;
	v6 =	vadd.f32 v60, v19;
	v9 =	vadd.f32 v30, v62  }
0x13e: {  	v52 =	vld.idx.msk [tilespmem:v46+s4+$0x0], $0xffff;
	v14 =	vadd.f32 v14, v47;
	v1 =	vadd.f32 v13, v1  }
0x13f: {  	v2 =	vand.u32 $0x7FFFFFFF, v33;
	v3 =	vadd.f32 v6, v3;
	v55 =	vadd.f32 v12, v42  }
0x140: {  	v8 =	vand.u32 $0x7FFFFFFF, v8;
	v1 =	vadd.f32 v2, v1;
	v10 =	vadd.f32 v54, v10  }
0x141: {  	v61 =	vmul.f32 v53, v36;
	v11 =	vadd.f32 v48, v45;
	v2 =	vadd.f32 v50, v49  }
0x142: {  	v54 =	vmul.f32 v35, v36;
	v4 =	vadd.f32 v38, v9;
	v10 =	vadd.f32 v10, v14  }
0x143: {  	v57 =	vmul.f32 v51, v36;
	v59 =	vadd.f32 v11, v55;
	v2 =	vadd.f32 v52, v2  }
0x144: {  	v58 =	vand.u32 $0x7FFFFFFF, v7;
	v3 =	vadd.f32 v4, v3;
	v56 =	vsub.f32 v54, v10  }
0x145: {  	v0 =	vadd.f32 v8, v0;
	v60 =	vand.u32 $0x7FFFFFFF, v35;
	v1 =	vadd.f32 v58, v1  }
0x146: {  	v2 =	vadd.f32 v2, v59;
	v3 =	vsub.f32 v57, v3;
	v5 =	vand.u32 $0x7FFFFFFF, v56  }
0x147: {  	v0 =	vadd.f32 v60, v0;
	v1 =	vadd.f32 v5, v1  }
0x148: {  	v62 =	vand.u32 $0x7FFFFFFF, v51;
	v2 =	vsub.f32 v61, v2;
	v3 =	vand.u32 $0x7FFFFFFF, v3  }
0x149: {  	v0 =	vadd.f32 v62, v0;
	v1 =	vadd.f32 v3, v1  }
0x14a: {  	v63 =	vand.u32 $0x7FFFFFFF, v53;
	v2 =	vand.u32 $0x7FFFFFFF, v2  }
0x14b: {  	v0 =	vadd.f32 v63, v0;
	v1 =	vadd.f32 v2, v1;
	_ =	sdelay $0x1  }
0x14c: {  	v0 =	vadd.f32 v1, v0;
	_ =	sdelay $0x1  }
0x14d: {  	s14 =	sadd.s32 $0x1, s14;
	v0 =	vmul.f32 $1.511852930e-06, v0  }
0x14e: {  	p0 =	sne.s32 s14, s7  }
.Ltmp3:
0x14f: {  	[tilespmem:$0x1CB00] =	vst v0;
	(pc) =	sbr.rel @p0 .LBB2_1-.Ltmp3, $4  }
0x150: {  	[hbm4b:s6+s4] =	stream.linear.scatter [tilespmem:s12], [sflag:$0x3], $0x10, $0x38;
	[tilespmem:$0x1CB80] =	vst v63  }
0x151: {  	_ =	swait.ge [sflag:s13], $0x10  }
0x152: {  	[sflag:s13] =	ssyncset.done $0x0  }
0x153: {  	[sflag:s13] =	ssyncadd.s32 $0xFFFFFFF0  }
0x154: {  	_ =	sfence.sel $0x180000  }
0x155: {  	[bflag:$0x0] =	sbarrier.arrive $0xFFFF  }
0x156: {  	p0 =	sne.s32 s0, $0x0;
	_ =	strace $0x90000047  }
0x157: {  	s0 =	sadd.s32 @!p0 $0x100000, s1;
	[bflag:$0x2] =	sbarrier.arrive $0xFFFF  }
0x158: {  	[sflag:s0] =	ssyncadd.tile.s32 @!p0 $0x1;
	_ =	shalt  }
.Lfunc_end2:
_tile_overlayer_lowered:
.L_overlay_start_2:
0x159: {  	(tag) =	ssettag $0x2  }
0x15a: {  	s0 =	rddreg [dreg:$0x0];
	s2 =	stileid.u32  }
0x15b: {  	s1 =	rddreg [dreg:$0x1];
	p0 =	sne.s32 s2, $0x0  }
0x15c: {  	s3 =	rddreg [dreg:$0x2];
	[bflag:$0x3] =	sbarrier.arrive $0xFFFF;
	s2 =	simm.s32 @!p0 $0x1C03  }
0x15d: {  	[timem:s3], [sflag:s2] =	dma.local @!p0 [hbm:s0], s1  }
0x15e: {  	s0 =	simm.s32 @!p0 $0x3  }
0x15f: {  	_ =	swait.ge @!p0 [sflag:s0], s1  }
0x160: {  	s1 =	ssub.s32 @!p0 $0x0, s1;
	[sflag:s0] =	ssyncset.done @!p0 $0x0  }
0x161: {  	[sflag:s0] =	ssyncadd.s32 @!p0 s1  }
0x162: {  	[bflag:$0x3] =	sbarrier.arrive $0xFFFF  }
0x163: {  	_ =	shalt  }

</sc_bundles>
